<compile_context>
chip_gen: v7x
topology: tpu7x:2x2x1
jax: 0.10.2.dev20260603
libtpu: 0.0.44.dev20260713+nightly
codegen_flags: <defaults>
</compile_context>

<pallas_src>
import functools
import jax
import jax.numpy as jnp
from jax import lax
from jax.experimental import pallas as pl
from jax.experimental.pallas import tpu as pltpu
from jax.experimental.pallas import tpu_sc as plsc

_E = 16
_H = 1024
_F = 2048
_CAP = 24
_EPS = 1e-06
_N = 64
_S = _E * _CAP
_SP = 512
_NC = 2
_NS = 16
_NW = _NC * _NS

_FB = 1024
_NF = _F // _FB


def _route_kernel(x_ref, rms_ref, wr_ref, bias_ref,
                  h_ref, inv_ref, slots_ref, w_ref):
    x = x_ref[...]
    v = jnp.mean(x * x, axis=-1, keepdims=True)
    h = rms_ref[...] * (x * jax.lax.rsqrt(v + _EPS))
    h_ref[...] = jnp.zeros((_N + 8, _H), jnp.float32)
    h_ref[pl.ds(0, _N), :] = h
    logits = jnp.dot(h, wr_ref[...], preferred_element_type=jnp.float32)
    scores = jax.nn.sigmoid(logits)
    choice = scores + bias_ref[...]
    ei = jax.lax.broadcasted_iota(jnp.int32, (_N, _E), 1)
    m1 = jnp.max(choice, axis=1, keepdims=True)
    idx1 = jnp.min(jnp.where(choice == m1, ei, _E), axis=1, keepdims=True)
    choice2 = jnp.where(ei == idx1, -jnp.inf, choice)
    m2 = jnp.max(choice2, axis=1, keepdims=True)
    idx2 = jnp.min(jnp.where(choice2 == m2, ei, _E), axis=1, keepdims=True)
    w1 = jnp.sum(jnp.where(ei == idx1, scores, 0.0), axis=1, keepdims=True)
    w2 = jnp.sum(jnp.where(ei == idx2, scores, 0.0), axis=1, keepdims=True)
    ws = w1 + w2 + 1e-09
    w1 = w1 / ws
    w2 = w2 / ws
    oh = ((ei == idx1).astype(jnp.float32)
          + (ei == idx2).astype(jnp.float32))
    ti = jax.lax.broadcasted_iota(jnp.int32, (_N, _N), 0)
    tj = jax.lax.broadcasted_iota(jnp.int32, (_N, _N), 1)
    ltri = (tj < ti).astype(jnp.float32)
    cnt_before = jnp.dot(ltri, oh, preferred_element_type=jnp.float32)
    pos1 = jnp.sum(jnp.where(ei == idx1, cnt_before, 0.0),
                   axis=1, keepdims=True).astype(jnp.int32)
    pos2 = jnp.sum(jnp.where(ei == idx2, cnt_before, 0.0),
                   axis=1, keepdims=True).astype(jnp.int32)
    slot1 = idx1 * _CAP + pos1
    slot2 = idx2 * _CAP + pos2
    ok1 = pos1 < _CAP
    ok2 = pos2 < _CAP
    aj = jax.lax.broadcasted_iota(jnp.int32, (1, 2 * _N), 1)
    at = aj // 2
    is_k0 = (aj % 2) == 0
    tok_oh = (jax.lax.broadcasted_iota(jnp.int32, (2 * _N, _N), 0) // 2
              == jax.lax.broadcasted_iota(jnp.int32, (2 * _N, _N), 1)
              ).astype(jnp.float32)
    k0 = (jax.lax.broadcasted_iota(jnp.int32, (2 * _N, 1), 0) % 2) == 0
    hi = jax.lax.Precision.HIGHEST
    s1a = jnp.dot(tok_oh, slot1.astype(jnp.float32),
                  preferred_element_type=jnp.float32, precision=hi)
    s2a = jnp.dot(tok_oh, slot2.astype(jnp.float32),
                  preferred_element_type=jnp.float32, precision=hi)
    o1a = jnp.dot(tok_oh, ok1.astype(jnp.float32),
                  preferred_element_type=jnp.float32, precision=hi)
    o2a = jnp.dot(tok_oh, ok2.astype(jnp.float32),
                  preferred_element_type=jnp.float32, precision=hi)
    w1a = jnp.dot(tok_oh, w1, preferred_element_type=jnp.float32, precision=hi)
    w2a = jnp.dot(tok_oh, w2, preferred_element_type=jnp.float32, precision=hi)
    sa = jnp.where(k0, s1a, s2a)
    oa = jnp.where(k0, o1a, o2a)
    wa = jnp.where(k0, w1a, w2a)
    slots_ref[...] = jnp.where(oa > 0.5, sa, 0.0).astype(jnp.int32).reshape(1, 2 * _N)
    w_ref[...] = (wa * oa) * jnp.ones((1, 16), jnp.float32)
    sj = jax.lax.broadcasted_iota(jnp.int32, (_N, _SP), 1)
    ind = (jnp.where((sj == slot1) & ok1, 1.0, 0.0)
           + jnp.where((sj == slot2) & ok2, 1.0, 0.0))
    tid = jax.lax.broadcasted_iota(jnp.int32, (1, _N), 1).astype(jnp.float32)
    inv_f = jnp.dot(tid, ind, preferred_element_type=jnp.float32,
                    precision=hi)
    occ = jnp.dot(jnp.ones((1, _N), jnp.float32), ind,
                  preferred_element_type=jnp.float32, precision=hi)
    inv_ref[...] = (inv_f + _N * (1.0 - occ)).astype(jnp.int32)


def _route(x, rms_w, W_router, bias_corr):
    return pl.pallas_call(
        _route_kernel,
        in_specs=[
            pl.BlockSpec((_N, _H), lambda: (0, 0)),
            pl.BlockSpec((1, _H), lambda: (0, 0)),
            pl.BlockSpec((_H, _E), lambda: (0, 0)),
            pl.BlockSpec((1, _E), lambda: (0, 0)),
        ],
        out_specs=[
            pl.BlockSpec((_N + 8, _H), lambda: (0, 0)),
            pl.BlockSpec((1, _SP), lambda: (0, 0)),
            pl.BlockSpec((1, 2 * _N), lambda: (0, 0)),
            pl.BlockSpec((2 * _N, 16), lambda: (0, 0)),
        ],
        out_shape=[
            jax.ShapeDtypeStruct((_N + 8, _H), jnp.float32),
            jax.ShapeDtypeStruct((1, _SP), jnp.int32),
            jax.ShapeDtypeStruct((1, 2 * _N), jnp.int32),
            jax.ShapeDtypeStruct((2 * _N, 16), jnp.float32),
        ],
    )(x, rms_w.reshape(1, _H), W_router, bias_corr.reshape(1, _E))


def _dispatch_body(h_hbm, inv_hbm, buf_hbm, idx_v, rows_v, sem):
    wid = lax.axis_index("s") * _NC + lax.axis_index("c")
    pltpu.sync_copy(inv_hbm.at[wid], idx_v)
    pltpu.async_copy(h_hbm.at[idx_v], rows_v, sem).wait()
    pltpu.sync_copy(rows_v, buf_hbm.at[pl.ds(wid * _NS, _NS)])


def _dispatch(h_ext, inv32):
    mesh = plsc.VectorSubcoreMesh(core_axis_name="c", subcore_axis_name="s",
                                  num_cores=_NC, num_subcores=_NS)
    return pl.kernel(
        _dispatch_body,
        out_type=jax.ShapeDtypeStruct((_SP, _H), jnp.float32),
        mesh=mesh,
        scratch_types=[
            pltpu.VMEM((_NS,), jnp.int32),
            pltpu.VMEM((_NS, _H), jnp.float32),
            pltpu.SemaphoreType.DMA,
        ],
    )(h_ext, inv32)


def _mlp_kernel(buf_ref, gate_ref, up_ref, down_ref, y_ref):
    f = pl.program_id(1)
    be = buf_ref[...]
    g = jnp.dot(be, gate_ref[0], preferred_element_type=jnp.float32)
    u = jnp.dot(be, up_ref[0], preferred_element_type=jnp.float32)
    act = g * jax.nn.sigmoid(g) * u
    contrib = jnp.dot(act, down_ref[0], preferred_element_type=jnp.float32)

    @pl.when(f == 0)
    def _init():
        y_ref[...] = contrib

    @pl.when(f > 0)
    def _acc():
        y_ref[...] += contrib


def _mlp(buf, W_gate, W_up, W_down):
    return pl.pallas_call(
        _mlp_kernel,
        grid=(_E, _NF),
        in_specs=[
            pl.BlockSpec((_CAP, _H), lambda e, f: (e, 0)),
            pl.BlockSpec((1, _H, _FB), lambda e, f: (e, 0, f)),
            pl.BlockSpec((1, _H, _FB), lambda e, f: (e, 0, f)),
            pl.BlockSpec((1, _FB, _H), lambda e, f: (e, f, 0)),
        ],
        out_specs=pl.BlockSpec((_CAP, _H), lambda e, f: (e, 0)),
        out_shape=jax.ShapeDtypeStruct((_S, _H), jnp.float32),
        compiler_params=pltpu.CompilerParams(
            dimension_semantics=("arbitrary", "arbitrary")),
    )(buf, W_gate, W_up, W_down)


def _combine_body(x_hbm, y_hbm, slots_hbm, w_hbm, out_hbm,
                  idx_v, w_v, rows_v, x_v, o_v, sem):
    wid = lax.axis_index("s") * _NC + lax.axis_index("c")
    pltpu.sync_copy(slots_hbm.at[wid], idx_v)
    pltpu.sync_copy(w_hbm.at[pl.ds(wid * 4, 4)], w_v)
    pltpu.async_copy(y_hbm.at[idx_v], rows_v, sem).wait()
    pltpu.sync_copy(x_hbm.at[pl.ds(wid * 2, 2)], x_v)

    def chunk(c, _):
        for j in range(2):
            w0 = w_v[2 * j, :]
            w1 = w_v[2 * j + 1, :]
            xc = x_v[j, pl.ds(c * 16, 16)]
            r0 = rows_v[2 * j, pl.ds(c * 16, 16)]
            r1 = rows_v[2 * j + 1, pl.ds(c * 16, 16)]
            o_v[j, pl.ds(c * 16, 16)] = xc + w0 * r0 + w1 * r1
        return _

    lax.fori_loop(0, _H // 16, chunk, 0)
    pltpu.sync_copy(o_v, out_hbm.at[pl.ds(wid * 2, 2)])


def _combine(x, y, slots32, w32):
    mesh = plsc.VectorSubcoreMesh(core_axis_name="c", subcore_axis_name="s",
                                  num_cores=_NC, num_subcores=_NS)
    return pl.kernel(
        _combine_body,
        out_type=jax.ShapeDtypeStruct((_N, _H), jnp.float32),
        mesh=mesh,
        scratch_types=[
            pltpu.VMEM((16,), jnp.int32),
            pltpu.VMEM((4, 16), jnp.float32),
            pltpu.VMEM((16, _H), jnp.float32),
            pltpu.VMEM((2, _H), jnp.float32),
            pltpu.VMEM((2, _H), jnp.float32),
            pltpu.SemaphoreType.DMA,
        ],
    )(x, y, slots32, w32)


def kernel(x, rms_w, W_router, bias_corr, W_gate, W_up, W_down):
    h_ext, inv, slots, w = _route(x, rms_w, W_router, bias_corr)
    inv32 = inv.reshape(_NW, _NS)
    slots32 = jnp.pad(slots.reshape(_NW, 4), ((0, 0), (0, 12)))
    buf = _dispatch(h_ext, inv32)
    y = _mlp(buf[:_S], W_gate, W_up, W_down)
    return _combine(x, y, slots32, w)

# --- scband reference (transcript-rebuilt; emitter-appended) ---
"""Pipeline reference for scband-neuron-mini-max-m2-decoder-layer-2671469658749 (READ-ONLY COPY).

The authoritative reference and input builder live on the scoring server;
editing this copy changes nothing except your own understanding.
"""

import jax, jax.numpy as jnp
import numpy as np

E = 16
K = 2
H = 1024
F = 2048
CAP = 24
EPS = 1e-06
N_TOK = 64


def _rmsnorm(x, w):
    v = jnp.mean(x.astype(jnp.float32) ** 2, axis=-1, keepdims=True)
    return (w * (x.astype(jnp.float32) * jax.lax.rsqrt(v + EPS))).astype(x.dtype)


def _moe_forward(x, rms_w, W_router, bias_corr, W_gate, W_up, W_down):
    N = x.shape[0]
    h = _rmsnorm(x, rms_w)
    # RouterTopKWithBias: fp32 router matmul, sigmoid act, e_score_correction_bias
    logits = h.astype(jnp.float32) @ W_router
    scores = jax.nn.sigmoid(logits)
    choice = scores + bias_corr[None, :]
    _, topi = jax.lax.top_k(choice, K)  # expert selection uses bias-corrected scores
    w = jnp.take_along_axis(scores, topi, axis=1)  # affinities use raw sigmoid scores
    w = w / (jnp.sum(w, axis=-1, keepdims=True) + 1e-09)  # normalize_top_k_affinities
    # capacity-based dispatch (scatter) to expert buffers
    flat_e = topi.reshape(-1)
    flat_tok = jnp.repeat(jnp.arange(N), K)
    oh = jax.nn.one_hot(flat_e, E, dtype=jnp.int32)
    pos = jnp.sum((jnp.cumsum(oh, axis=0) - 1) * oh, axis=1)
    valid = pos < CAP
    pos_c = jnp.where(valid, pos, CAP)
    buf = jnp.zeros((E, CAP + 1, H), h.dtype).at[flat_e, pos_c].set(h[flat_tok])[:, :CAP]
    # GLU expert MLPs
    g = jnp.einsum('ech,ehf->ecf', buf, W_gate)
    u = jnp.einsum('ech,ehf->ecf', buf, W_up)
    act = jax.nn.silu(g) * u
    yb = jnp.einsum('ecf,efh->ech', act, W_down)
    # combine (gather) back to token order, weighted by top-k affinities
    yb = jnp.concatenate([yb, jnp.zeros((E, 1, H), yb.dtype)], axis=1)
    y = yb[flat_e, pos_c] * valid[:, None].astype(yb.dtype)
    y = jnp.sum(y.reshape(N, K, H) * w[..., None].astype(yb.dtype), axis=1)
    return x + y


def setup_inputs(seed: int = 0):
    key = jax.random.key(seed)
    ks = jax.random.split(key, 7)
    return {
        'x': jax.random.normal(ks[0], (N_TOK, H), dtype=jnp.float32),
        'rms_w': jnp.ones((H,), dtype=jnp.float32),
        'W_router': jax.random.normal(ks[1], (H, E), dtype=jnp.float32) * 0.02,
        'bias_corr': jax.random.normal(ks[2], (E,), dtype=jnp.float32) * 0.01,
        'W_gate': jax.random.normal(ks[3], (E, H, F), dtype=jnp.float32) * 0.02,
        'W_up': jax.random.normal(ks[4], (E, H, F), dtype=jnp.float32) * 0.02,
        'W_down': jax.random.normal(ks[5], (E, F, H), dtype=jnp.float32) * 0.02,
    }


def reference(x, rms_w, W_router, bias_corr, W_gate, W_up, W_down):
    return _moe_forward(x, rms_w, W_router, bias_corr, W_gate, W_up, W_down)

if __name__ == "__main__":
    import jax
    _d = setup_inputs()
    print(jax.jit(kernel)(*tuple(_d.values())))

</pallas_src>

<mosaic_0001>
#map = affine_map<(d0, d1) -> (0, 0)>
module attributes {stable_mosaic.version = 14 : i64} {
  func.func @_combine_body(%arg0: i32, %arg1: i32, %arg2: memref<64x1024xf32, #tpu.memory_space<hbm>>, %arg3: memref<384x1024xf32, #tpu.memory_space<hbm>>, %arg4: memref<32x16xi32, #tpu.memory_space<hbm>>, %arg5: memref<128x16xf32, #tpu.memory_space<hbm>>, %arg6: memref<64x1024xf32, #tpu.memory_space<hbm>>, %arg7: memref<16xi32, #tpu.memory_space<vmem>>, %arg8: memref<4x16xf32, #tpu.memory_space<vmem>>, %arg9: memref<16x1024xf32, #tpu.memory_space<vmem>>, %arg10: memref<2x1024xf32, #tpu.memory_space<vmem>>, %arg11: memref<2x1024xf32, #tpu.memory_space<vmem>>, %arg12: memref<!tpu.dma_semaphore, #tpu.memory_space<semaphore_mem>>) attributes {dimension_semantics = [#tpu.dimension_semantics<core_parallel>, #tpu.dimension_semantics<subcore_parallel>], iteration_bounds = array<i64: 2, 16>, scalar_prefetch = 0 : i64, scratch_operands = 6 : i64, tpu.core_type = #tpu.core_type<sc_vector_subcore>, window_params = [{transform_indices = #map}, {transform_indices = #map}, {transform_indices = #map}, {transform_indices = #map}, {transform_indices = #map}]} {
    %mul3A = arith.constant 2 : i32
    %mul3A_0 = arith.muli %arg1, %mul3A : i32
    %add3A = arith.addi %mul3A_0, %arg0 : i32
    "tpu.region"() ({
      %run_scoped3A = tpu.sem_alloc : memref<!tpu.dma_semaphore, #tpu.memory_space<semaphore_mem>>
      %dma_start3A_16 = arith.constant 0 : i32
      %dma_start3A_17 = tpu.memref_slice %arg4[%add3A, %dma_start3A_16] : memref<32x16xi32, #tpu.memory_space<hbm>> -> memref<1x16xi32, #tpu.memory_space<hbm>>
      %dma_start3A_18 = tpu.memref_squeeze %dma_start3A_17 : memref<1x16xi32, #tpu.memory_space<hbm>> -> memref<16xi32, #tpu.memory_space<hbm>>
      %dma_start3A_19 = arith.constant 0 : i32
      %dma_start3A_20 = tpu.memref_slice %arg4[%add3A, %dma_start3A_19] : memref<32x16xi32, #tpu.memory_space<hbm>> -> memref<1x16xi32, #tpu.memory_space<hbm>>
      %dma_start3A_21 = tpu.memref_squeeze %dma_start3A_20 : memref<1x16xi32, #tpu.memory_space<hbm>> -> memref<16xi32, #tpu.memory_space<hbm>>
      tpu.enqueue_dma source(%dma_start3A_21 : memref<16xi32, #tpu.memory_space<hbm>>) target(%arg7 : memref<16xi32, #tpu.memory_space<vmem>>) target_semaphore(%run_scoped3A : memref<!tpu.dma_semaphore, #tpu.memory_space<semaphore_mem>>)
      %dma_wait3A_22 = arith.constant 0 : i32
      %dma_wait3A_23 = tpu.memref_slice %arg4[%add3A, %dma_wait3A_22] : memref<32x16xi32, #tpu.memory_space<hbm>> -> memref<1x16xi32, #tpu.memory_space<hbm>>
      %dma_wait3A_24 = tpu.memref_squeeze %dma_wait3A_23 : memref<1x16xi32, #tpu.memory_space<hbm>> -> memref<16xi32, #tpu.memory_space<hbm>>
      %dma_wait3A_25 = arith.constant 0 : i32
      %dma_wait3A_26 = tpu.memref_slice %arg4[%add3A, %dma_wait3A_25] : memref<32x16xi32, #tpu.memory_space<hbm>> -> memref<1x16xi32, #tpu.memory_space<hbm>>
      %dma_wait3A_27 = tpu.memref_squeeze %dma_wait3A_26 : memref<1x16xi32, #tpu.memory_space<hbm>> -> memref<16xi32, #tpu.memory_space<hbm>>
      tpu.wait_dma2 semaphore(%run_scoped3A : memref<!tpu.dma_semaphore, #tpu.memory_space<semaphore_mem>>) src(%dma_wait3A_27 : memref<16xi32, #tpu.memory_space<hbm>>) dst(%arg7 : memref<16xi32, #tpu.memory_space<vmem>>)
      tpu.yield
    }) : () -> ()
    %mul3A_1 = arith.constant 4 : i32
    %mul3A_2 = arith.muli %add3A, %mul3A_1 : i32
    "tpu.region"() ({
      %run_scoped3A = tpu.sem_alloc : memref<!tpu.dma_semaphore, #tpu.memory_space<semaphore_mem>>
      %dma_start3A_16 = arith.constant 0 : i32
      %dma_start3A_17 = tpu.memref_slice %arg5[%mul3A_2, %dma_start3A_16] : memref<128x16xf32, #tpu.memory_space<hbm>> -> memref<4x16xf32, #tpu.memory_space<hbm>>
      %dma_start3A_18 = arith.constant 0 : i32
      %dma_start3A_19 = tpu.memref_slice %arg5[%mul3A_2, %dma_start3A_18] : memref<128x16xf32, #tpu.memory_space<hbm>> -> memref<4x16xf32, #tpu.memory_space<hbm>>
      tpu.enqueue_dma source(%dma_start3A_19 : memref<4x16xf32, #tpu.memory_space<hbm>>) target(%arg8 : memref<4x16xf32, #tpu.memory_space<vmem>>) target_semaphore(%run_scoped3A : memref<!tpu.dma_semaphore, #tpu.memory_space<semaphore_mem>>)
      %dma_wait3A_20 = arith.constant 0 : i32
      %dma_wait3A_21 = tpu.memref_slice %arg5[%mul3A_2, %dma_wait3A_20] : memref<128x16xf32, #tpu.memory_space<hbm>> -> memref<4x16xf32, #tpu.memory_space<hbm>>
      %dma_wait3A_22 = arith.constant 0 : i32
      %dma_wait3A_23 = tpu.memref_slice %arg5[%mul3A_2, %dma_wait3A_22] : memref<128x16xf32, #tpu.memory_space<hbm>> -> memref<4x16xf32, #tpu.memory_space<hbm>>
      tpu.wait_dma2 semaphore(%run_scoped3A : memref<!tpu.dma_semaphore, #tpu.memory_space<semaphore_mem>>) src(%dma_wait3A_23 : memref<4x16xf32, #tpu.memory_space<hbm>>) dst(%arg8 : memref<4x16xf32, #tpu.memory_space<vmem>>)
      tpu.yield
    }) : () -> ()
    %dma_start3A = arith.constant 0 : i32
    %dma_start3A_3 = arith.constant 0 : i32
    %dma_start3A_4 = tpu.memref_slice %arg3[%dma_start3A, %dma_start3A_3] : memref<384x1024xf32, #tpu.memory_space<hbm>> -> memref<384x1024xf32, #tpu.memory_space<hbm>>
    tpu.enqueue_indirect_dma source(%dma_start3A_4 : memref<384x1024xf32, #tpu.memory_space<hbm>>) target(%arg9 : memref<16x1024xf32, #tpu.memory_space<vmem>>) offsets(%arg7 : memref<16xi32, #tpu.memory_space<vmem>>) semaphore(%arg12 : memref<!tpu.dma_semaphore, #tpu.memory_space<semaphore_mem>>)
    %dma_wait3A = arith.constant 0 : i32
    %dma_wait3A_5 = arith.constant 0 : i32
    %dma_wait3A_6 = tpu.memref_slice %arg3[%dma_wait3A, %dma_wait3A_5] : memref<384x1024xf32, #tpu.memory_space<hbm>> -> memref<384x1024xf32, #tpu.memory_space<hbm>>
    tpu.wait_indirect_dma semaphore(%arg12 : memref<!tpu.dma_semaphore, #tpu.memory_space<semaphore_mem>>) src(%dma_wait3A_6 : memref<384x1024xf32, #tpu.memory_space<hbm>>) dst(%arg9 : memref<16x1024xf32, #tpu.memory_space<vmem>>)
    %mul3A_7 = arith.constant 2 : i32
    %mul3A_8 = arith.muli %add3A, %mul3A_7 : i32
    "tpu.region"() ({
      %run_scoped3A = tpu.sem_alloc : memref<!tpu.dma_semaphore, #tpu.memory_space<semaphore_mem>>
      %dma_start3A_16 = arith.constant 0 : i32
      %dma_start3A_17 = tpu.memref_slice %arg2[%mul3A_8, %dma_start3A_16] : memref<64x1024xf32, #tpu.memory_space<hbm>> -> memref<2x1024xf32, #tpu.memory_space<hbm>>
      %dma_start3A_18 = arith.constant 0 : i32
      %dma_start3A_19 = tpu.memref_slice %arg2[%mul3A_8, %dma_start3A_18] : memref<64x1024xf32, #tpu.memory_space<hbm>> -> memref<2x1024xf32, #tpu.memory_space<hbm>>
      tpu.enqueue_dma source(%dma_start3A_19 : memref<2x1024xf32, #tpu.memory_space<hbm>>) target(%arg10 : memref<2x1024xf32, #tpu.memory_space<vmem>>) target_semaphore(%run_scoped3A : memref<!tpu.dma_semaphore, #tpu.memory_space<semaphore_mem>>)
      %dma_wait3A_20 = arith.constant 0 : i32
      %dma_wait3A_21 = tpu.memref_slice %arg2[%mul3A_8, %dma_wait3A_20] : memref<64x1024xf32, #tpu.memory_space<hbm>> -> memref<2x1024xf32, #tpu.memory_space<hbm>>
      %dma_wait3A_22 = arith.constant 0 : i32
      %dma_wait3A_23 = tpu.memref_slice %arg2[%mul3A_8, %dma_wait3A_22] : memref<64x1024xf32, #tpu.memory_space<hbm>> -> memref<2x1024xf32, #tpu.memory_space<hbm>>
      tpu.wait_dma2 semaphore(%run_scoped3A : memref<!tpu.dma_semaphore, #tpu.memory_space<semaphore_mem>>) src(%dma_wait3A_23 : memref<2x1024xf32, #tpu.memory_space<hbm>>) dst(%arg10 : memref<2x1024xf32, #tpu.memory_space<vmem>>)
      tpu.yield
    }) : () -> ()
    %scan3A = arith.constant 0 : i32
    %scan3A_9 = arith.constant 0 : i32
    %scan3A_10 = arith.constant 64 : i32
    %scan3A_11 = arith.addi %scan3A_9, %scan3A_10 : i32
    %scan3A_12 = arith.constant 1 : i32
    scf.for %scan3A_16 = %scan3A_9 to %scan3A_11 step %scan3A_12  : i32 {
      %get3A = arith.constant 0 : i32
      %get3A_17 = arith.index_cast %get3A : i32 to index
      %get3A_18 = arith.constant 0 : index
      %get3A_19 = tpu.vector_load %arg8[%get3A_17, %get3A_18] {strides = array<i32>} : memref<4x16xf32, #tpu.memory_space<vmem>>, vector<1x16xf32>,
      %get3A_20 = vector.shape_cast %get3A_19 : vector<1x16xf32> to vector<16xf32>
      %get3A_21 = arith.constant 1 : i32
      %get3A_22 = arith.index_cast %get3A_21 : i32 to index
      %get3A_23 = arith.constant 0 : index
      %get3A_24 = tpu.vector_load %arg8[%get3A_22, %get3A_23] {strides = array<i32>} : memref<4x16xf32, #tpu.memory_space<vmem>>, vector<1x16xf32>,
      %get3A_25 = vector.shape_cast %get3A_24 : vector<1x16xf32> to vector<16xf32>
      %mul3A_26 = arith.constant 16 : i32
      %mul3A_27 = arith.muli %scan3A_16, %mul3A_26 : i32
      %get3A_28 = arith.constant 0 : i32
      %get3A_29 = arith.index_cast %get3A_28 : i32 to index
      %get3A_30 = arith.index_cast %mul3A_27 : i32 to index
      %get3A_31 = tpu.vector_load %arg10[%get3A_29, %get3A_30] {strides = array<i32>} : memref<2x1024xf32, #tpu.memory_space<vmem>>, vector<1x16xf32>,
      %get3A_32 = vector.shape_cast %get3A_31 : vector<1x16xf32> to vector<16xf32>
      %mul3A_33 = arith.constant 16 : i32
      %mul3A_34 = arith.muli %scan3A_16, %mul3A_33 : i32
      %get3A_35 = arith.constant 0 : i32
      %get3A_36 = arith.index_cast %get3A_35 : i32 to index
      %get3A_37 = arith.index_cast %mul3A_34 : i32 to index
      %get3A_38 = tpu.vector_load %arg9[%get3A_36, %get3A_37] {strides = array<i32>} : memref<16x1024xf32, #tpu.memory_space<vmem>>, vector<1x16xf32>,
      %get3A_39 = vector.shape_cast %get3A_38 : vector<1x16xf32> to vector<16xf32>
      %mul3A_40 = arith.constant 16 : i32
      %mul3A_41 = arith.muli %scan3A_16, %mul3A_40 : i32
      %get3A_42 = arith.constant 1 : i32
      %get3A_43 = arith.index_cast %get3A_42 : i32 to index
      %get3A_44 = arith.index_cast %mul3A_41 : i32 to index
      %get3A_45 = tpu.vector_load %arg9[%get3A_43, %get3A_44] {strides = array<i32>} : memref<16x1024xf32, #tpu.memory_space<vmem>>, vector<1x16xf32>,
      %get3A_46 = vector.shape_cast %get3A_45 : vector<1x16xf32> to vector<16xf32>
      %mul3A_47 = arith.mulf %get3A_20, %get3A_39 : vector<16xf32>
      %add3A_48 = arith.addf %get3A_32, %mul3A_47 : vector<16xf32>
      %mul3A_49 = arith.mulf %get3A_25, %get3A_46 : vector<16xf32>
      %add3A_50 = arith.addf %add3A_48, %mul3A_49 : vector<16xf32>
      %mul3A_51 = arith.constant 16 : i32
      %mul3A_52 = arith.muli %scan3A_16, %mul3A_51 : i32
      %swap3A = arith.constant 0 : i32
      %swap3A_53 = arith.index_cast %swap3A : i32 to index
      %swap3A_54 = arith.index_cast %mul3A_52 : i32 to index
      %swap3A_55 = tpu.vector_load %arg11[%swap3A_53, %swap3A_54] {strides = array<i32>} : memref<2x1024xf32, #tpu.memory_space<vmem>>, vector<1x16xf32>,
      %swap3A_56 = vector.shape_cast %swap3A_55 : vector<1x16xf32> to vector<16xf32>
      %swap3A_57 = vector.shape_cast %add3A_50 : vector<16xf32> to vector<1x16xf32>
      tpu.vector_store %arg11[%swap3A_53, %swap3A_54], %swap3A_57 {strides = array<i32>} : memref<2x1024xf32, #tpu.memory_space<vmem>>, vector<1x16xf32>,
      %get3A_58 = arith.constant 2 : i32
      %get3A_59 = arith.index_cast %get3A_58 : i32 to index
      %get3A_60 = arith.constant 0 : index
      %get3A_61 = tpu.vector_load %arg8[%get3A_59, %get3A_60] {strides = array<i32>} : memref<4x16xf32, #tpu.memory_space<vmem>>, vector<1x16xf32>,
      %get3A_62 = vector.shape_cast %get3A_61 : vector<1x16xf32> to vector<16xf32>
      %get3A_63 = arith.constant 3 : i32
      %get3A_64 = arith.index_cast %get3A_63 : i32 to index
      %get3A_65 = arith.constant 0 : index
      %get3A_66 = tpu.vector_load %arg8[%get3A_64, %get3A_65] {strides = array<i32>} : memref<4x16xf32, #tpu.memory_space<vmem>>, vector<1x16xf32>,
      %get3A_67 = vector.shape_cast %get3A_66 : vector<1x16xf32> to vector<16xf32>
      %mul3A_68 = arith.constant 16 : i32
      %mul3A_69 = arith.muli %scan3A_16, %mul3A_68 : i32
      %get3A_70 = arith.constant 1 : i32
      %get3A_71 = arith.index_cast %get3A_70 : i32 to index
      %get3A_72 = arith.index_cast %mul3A_69 : i32 to index
      %get3A_73 = tpu.vector_load %arg10[%get3A_71, %get3A_72] {strides = array<i32>} : memref<2x1024xf32, #tpu.memory_space<vmem>>, vector<1x16xf32>,
      %get3A_74 = vector.shape_cast %get3A_73 : vector<1x16xf32> to vector<16xf32>
      %mul3A_75 = arith.constant 16 : i32
      %mul3A_76 = arith.muli %scan3A_16, %mul3A_75 : i32
      %get3A_77 = arith.constant 2 : i32
      %get3A_78 = arith.index_cast %get3A_77 : i32 to index
      %get3A_79 = arith.index_cast %mul3A_76 : i32 to index
      %get3A_80 = tpu.vector_load %arg9[%get3A_78, %get3A_79] {strides = array<i32>} : memref<16x1024xf32, #tpu.memory_space<vmem>>, vector<1x16xf32>,
      %get3A_81 = vector.shape_cast %get3A_80 : vector<1x16xf32> to vector<16xf32>
      %mul3A_82 = arith.constant 16 : i32
      %mul3A_83 = arith.muli %scan3A_16, %mul3A_82 : i32
      %get3A_84 = arith.constant 3 : i32
      %get3A_85 = arith.index_cast %get3A_84 : i32 to index
      %get3A_86 = arith.index_cast %mul3A_83 : i32 to index
      %get3A_87 = tpu.vector_load %arg9[%get3A_85, %get3A_86] {strides = array<i32>} : memref<16x1024xf32, #tpu.memory_space<vmem>>, vector<1x16xf32>,
      %get3A_88 = vector.shape_cast %get3A_87 : vector<1x16xf32> to vector<16xf32>
      %mul3A_89 = arith.mulf %get3A_62, %get3A_81 : vector<16xf32>
      %add3A_90 = arith.addf %get3A_74, %mul3A_89 : vector<16xf32>
      %mul3A_91 = arith.mulf %get3A_67, %get3A_88 : vector<16xf32>
      %add3A_92 = arith.addf %add3A_90, %mul3A_91 : vector<16xf32>
      %mul3A_93 = arith.constant 16 : i32
      %mul3A_94 = arith.muli %scan3A_16, %mul3A_93 : i32
      %swap3A_95 = arith.constant 1 : i32
      %swap3A_96 = arith.index_cast %swap3A_95 : i32 to index
      %swap3A_97 = arith.index_cast %mul3A_94 : i32 to index
      %swap3A_98 = tpu.vector_load %arg11[%swap3A_96, %swap3A_97] {strides = array<i32>} : memref<2x1024xf32, #tpu.memory_space<vmem>>, vector<1x16xf32>,
      %swap3A_99 = vector.shape_cast %swap3A_98 : vector<1x16xf32> to vector<16xf32>
      %swap3A_100 = vector.shape_cast %add3A_92 : vector<16xf32> to vector<1x16xf32>
      tpu.vector_store %arg11[%swap3A_96, %swap3A_97], %swap3A_100 {strides = array<i32>} : memref<2x1024xf32, #tpu.memory_space<vmem>>, vector<1x16xf32>,
    }
    %scan3A_13 = arith.constant 64 : i32
    %mul3A_14 = arith.constant 2 : i32
    %mul3A_15 = arith.muli %add3A, %mul3A_14 : i32
    "tpu.region"() ({
      %run_scoped3A = tpu.sem_alloc : memref<!tpu.dma_semaphore, #tpu.memory_space<semaphore_mem>>
      %dma_start3A_16 = arith.constant 0 : i32
      %dma_start3A_17 = tpu.memref_slice %arg6[%mul3A_15, %dma_start3A_16] : memref<64x1024xf32, #tpu.memory_space<hbm>> -> memref<2x1024xf32, #tpu.memory_space<hbm>>
      %dma_start3A_18 = arith.constant 0 : i32
      %dma_start3A_19 = tpu.memref_slice %arg6[%mul3A_15, %dma_start3A_18] : memref<64x1024xf32, #tpu.memory_space<hbm>> -> memref<2x1024xf32, #tpu.memory_space<hbm>>
      tpu.enqueue_dma source(%arg11 : memref<2x1024xf32, #tpu.memory_space<vmem>>) target(%dma_start3A_19 : memref<2x1024xf32, #tpu.memory_space<hbm>>) target_semaphore(%run_scoped3A : memref<!tpu.dma_semaphore, #tpu.memory_space<semaphore_mem>>)
      %dma_wait3A_20 = arith.constant 0 : i32
      %dma_wait3A_21 = tpu.memref_slice %arg6[%mul3A_15, %dma_wait3A_20] : memref<64x1024xf32, #tpu.memory_space<hbm>> -> memref<2x1024xf32, #tpu.memory_space<hbm>>
      %dma_wait3A_22 = arith.constant 0 : i32
      %dma_wait3A_23 = tpu.memref_slice %arg6[%mul3A_15, %dma_wait3A_22] : memref<64x1024xf32, #tpu.memory_space<hbm>> -> memref<2x1024xf32, #tpu.memory_space<hbm>>
      tpu.wait_dma2 semaphore(%run_scoped3A : memref<!tpu.dma_semaphore, #tpu.memory_space<semaphore_mem>>) src(%arg11 : memref<2x1024xf32, #tpu.memory_space<vmem>>) dst(%dma_wait3A_23 : memref<2x1024xf32, #tpu.memory_space<hbm>>)
      tpu.yield
    }) : () -> ()
    return
  }
}

#map = affine_map<(d0, d1) -> (0, 0)>
module attributes {stable_mosaic.version = 14 : i64} {
  func.func @_dispatch_body(%arg0: i32, %arg1: i32, %arg2: memref<72x1024xf32, #tpu.memory_space<hbm>>, %arg3: memref<32x16xi32, #tpu.memory_space<hbm>>, %arg4: memref<512x1024xf32, #tpu.memory_space<hbm>>, %arg5: memref<16xi32, #tpu.memory_space<vmem>>, %arg6: memref<16x1024xf32, #tpu.memory_space<vmem>>, %arg7: memref<!tpu.dma_semaphore, #tpu.memory_space<semaphore_mem>>) attributes {dimension_semantics = [#tpu.dimension_semantics<core_parallel>, #tpu.dimension_semantics<subcore_parallel>], iteration_bounds = array<i64: 2, 16>, scalar_prefetch = 0 : i64, scratch_operands = 3 : i64, tpu.core_type = #tpu.core_type<sc_vector_subcore>, window_params = [{transform_indices = #map}, {transform_indices = #map}, {transform_indices = #map}]} {
    %mul3A = arith.constant 2 : i32
    %mul3A_0 = arith.muli %arg1, %mul3A : i32
    %add3A = arith.addi %mul3A_0, %arg0 : i32
    "tpu.region"() ({
      %run_scoped3A = tpu.sem_alloc : memref<!tpu.dma_semaphore, #tpu.memory_space<semaphore_mem>>
      %dma_start3A_7 = arith.constant 0 : i32
      %dma_start3A_8 = tpu.memref_slice %arg3[%add3A, %dma_start3A_7] : memref<32x16xi32, #tpu.memory_space<hbm>> -> memref<1x16xi32, #tpu.memory_space<hbm>>
      %dma_start3A_9 = tpu.memref_squeeze %dma_start3A_8 : memref<1x16xi32, #tpu.memory_space<hbm>> -> memref<16xi32, #tpu.memory_space<hbm>>
      %dma_start3A_10 = arith.constant 0 : i32
      %dma_start3A_11 = tpu.memref_slice %arg3[%add3A, %dma_start3A_10] : memref<32x16xi32, #tpu.memory_space<hbm>> -> memref<1x16xi32, #tpu.memory_space<hbm>>
      %dma_start3A_12 = tpu.memref_squeeze %dma_start3A_11 : memref<1x16xi32, #tpu.memory_space<hbm>> -> memref<16xi32, #tpu.memory_space<hbm>>
      tpu.enqueue_dma source(%dma_start3A_12 : memref<16xi32, #tpu.memory_space<hbm>>) target(%arg5 : memref<16xi32, #tpu.memory_space<vmem>>) target_semaphore(%run_scoped3A : memref<!tpu.dma_semaphore, #tpu.memory_space<semaphore_mem>>)
      %dma_wait3A_13 = arith.constant 0 : i32
      %dma_wait3A_14 = tpu.memref_slice %arg3[%add3A, %dma_wait3A_13] : memref<32x16xi32, #tpu.memory_space<hbm>> -> memref<1x16xi32, #tpu.memory_space<hbm>>
      %dma_wait3A_15 = tpu.memref_squeeze %dma_wait3A_14 : memref<1x16xi32, #tpu.memory_space<hbm>> -> memref<16xi32, #tpu.memory_space<hbm>>
      %dma_wait3A_16 = arith.constant 0 : i32
      %dma_wait3A_17 = tpu.memref_slice %arg3[%add3A, %dma_wait3A_16] : memref<32x16xi32, #tpu.memory_space<hbm>> -> memref<1x16xi32, #tpu.memory_space<hbm>>
      %dma_wait3A_18 = tpu.memref_squeeze %dma_wait3A_17 : memref<1x16xi32, #tpu.memory_space<hbm>> -> memref<16xi32, #tpu.memory_space<hbm>>
      tpu.wait_dma2 semaphore(%run_scoped3A : memref<!tpu.dma_semaphore, #tpu.memory_space<semaphore_mem>>) src(%dma_wait3A_18 : memref<16xi32, #tpu.memory_space<hbm>>) dst(%arg5 : memref<16xi32, #tpu.memory_space<vmem>>)
      tpu.yield
    }) : () -> ()
    %dma_start3A = arith.constant 0 : i32
    %dma_start3A_1 = arith.constant 0 : i32
    %dma_start3A_2 = tpu.memref_slice %arg2[%dma_start3A, %dma_start3A_1] : memref<72x1024xf32, #tpu.memory_space<hbm>> -> memref<72x1024xf32, #tpu.memory_space<hbm>>
    tpu.enqueue_indirect_dma source(%dma_start3A_2 : memref<72x1024xf32, #tpu.memory_space<hbm>>) target(%arg6 : memref<16x1024xf32, #tpu.memory_space<vmem>>) offsets(%arg5 : memref<16xi32, #tpu.memory_space<vmem>>) semaphore(%arg7 : memref<!tpu.dma_semaphore, #tpu.memory_space<semaphore_mem>>)
    %dma_wait3A = arith.constant 0 : i32
    %dma_wait3A_3 = arith.constant 0 : i32
    %dma_wait3A_4 = tpu.memref_slice %arg2[%dma_wait3A, %dma_wait3A_3] : memref<72x1024xf32, #tpu.memory_space<hbm>> -> memref<72x1024xf32, #tpu.memory_space<hbm>>
    tpu.wait_indirect_dma semaphore(%arg7 : memref<!tpu.dma_semaphore, #tpu.memory_space<semaphore_mem>>) src(%dma_wait3A_4 : memref<72x1024xf32, #tpu.memory_space<hbm>>) dst(%arg6 : memref<16x1024xf32, #tpu.memory_space<vmem>>)
    %mul3A_5 = arith.constant 16 : i32
    %mul3A_6 = arith.muli %add3A, %mul3A_5 : i32
    "tpu.region"() ({
      %run_scoped3A = tpu.sem_alloc : memref<!tpu.dma_semaphore, #tpu.memory_space<semaphore_mem>>
      %dma_start3A_7 = arith.constant 0 : i32
      %dma_start3A_8 = tpu.memref_slice %arg4[%mul3A_6, %dma_start3A_7] : memref<512x1024xf32, #tpu.memory_space<hbm>> -> memref<16x1024xf32, #tpu.memory_space<hbm>>
      %dma_start3A_9 = arith.constant 0 : i32
      %dma_start3A_10 = tpu.memref_slice %arg4[%mul3A_6, %dma_start3A_9] : memref<512x1024xf32, #tpu.memory_space<hbm>> -> memref<16x1024xf32, #tpu.memory_space<hbm>>
      tpu.enqueue_dma source(%arg6 : memref<16x1024xf32, #tpu.memory_space<vmem>>) target(%dma_start3A_10 : memref<16x1024xf32, #tpu.memory_space<hbm>>) target_semaphore(%run_scoped3A : memref<!tpu.dma_semaphore, #tpu.memory_space<semaphore_mem>>)
      %dma_wait3A_11 = arith.constant 0 : i32
      %dma_wait3A_12 = tpu.memref_slice %arg4[%mul3A_6, %dma_wait3A_11] : memref<512x1024xf32, #tpu.memory_space<hbm>> -> memref<16x1024xf32, #tpu.memory_space<hbm>>
      %dma_wait3A_13 = arith.constant 0 : i32
      %dma_wait3A_14 = tpu.memref_slice %arg4[%mul3A_6, %dma_wait3A_13] : memref<512x1024xf32, #tpu.memory_space<hbm>> -> memref<16x1024xf32, #tpu.memory_space<hbm>>
      tpu.wait_dma2 semaphore(%run_scoped3A : memref<!tpu.dma_semaphore, #tpu.memory_space<semaphore_mem>>) src(%arg6 : memref<16x1024xf32, #tpu.memory_space<vmem>>) dst(%dma_wait3A_14 : memref<16x1024xf32, #tpu.memory_space<hbm>>)
      tpu.yield
    }) : () -> ()
    return
  }
}

module attributes {stable_mosaic.version = 14 : i64} {
  func.func @_route_kernel(%arg0: memref<64x1024xf32, #tpu.memory_space<vmem>>, %arg1: memref<1x1024xf32, #tpu.memory_space<vmem>>, %arg2: memref<1024x16xf32, #tpu.memory_space<vmem>>, %arg3: memref<1x16xf32, #tpu.memory_space<vmem>>, %arg4: memref<72x1024xf32, #tpu.memory_space<vmem>>, %arg5: memref<1x512xi32, #tpu.memory_space<vmem>>, %arg6: memref<1x128xi32, #tpu.memory_space<vmem>>, %arg7: memref<128x16xf32, #tpu.memory_space<vmem>>) attributes {dimension_semantics = [], scalar_prefetch = 0 : i64, scratch_operands = 0 : i64, tpu.core_type = #tpu.core_type<tc>} {
    %get3A = arith.constant 0 : index
    %get3A_0 = arith.constant 0 : index
    %get3A_1 = vector.load %arg0[%get3A, %get3A_0] : memref<64x1024xf32, #tpu.memory_space<vmem>>, vector<64x1024xf32>
    %mul3A = arith.mulf %get3A_1, %get3A_1 : vector<64x1024xf32>
    %reduce_sum3A = arith.constant dense<0.000000e+00> : vector<64xf32>
    %reduce_sum3A_2 = vector.multi_reduction <add>, %mul3A, %reduce_sum3A [1] : vector<64x1024xf32> to vector<64xf32>
    %broadcast_in_dim3A = vector.shape_cast %reduce_sum3A_2 : vector<64xf32> to vector<64x1xf32>
    %div3A = arith.constant 1.024000e+03 : f32
    %div3A_3 = vector.broadcast %div3A : f32 to vector<64x1xf32>
    %div3A_4 = arith.divf %broadcast_in_dim3A, %div3A_3 : vector<64x1xf32>
    %get3A_5 = arith.constant 0 : index
    %get3A_6 = arith.constant 0 : index
    %get3A_7 = vector.load %arg1[%get3A_5, %get3A_6] : memref<1x1024xf32, #tpu.memory_space<vmem>>, vector<1x1024xf32>
    %add3A = arith.constant 9.99999997E-7 : f32
    %add3A_8 = vector.broadcast %add3A : f32 to vector<64x1xf32>
    %add3A_9 = arith.addf %div3A_4, %add3A_8 : vector<64x1xf32>
    %rsqrt3A = math.rsqrt %add3A_9 : vector<64x1xf32>
    %mul3A_10 = vector.broadcast %rsqrt3A : vector<64x1xf32> to vector<64x1024xf32>
    %mul3A_11 = arith.mulf %get3A_1, %mul3A_10 : vector<64x1024xf32>
    %mul3A_12 = vector.broadcast %get3A_7 : vector<1x1024xf32> to vector<64x1024xf32>
    %mul3A_13 = arith.mulf %mul3A_12, %mul3A_11 : vector<64x1024xf32>
    %broadcast_in_dim3A_14 = arith.constant 0.000000e+00 : f32
    %broadcast_in_dim3A_15 = vector.broadcast %broadcast_in_dim3A_14 : f32 to vector<72x1024xf32>
    %swap3A = arith.constant 0 : index
    %swap3A_16 = arith.constant 0 : index
    %swap3A_17 = vector.load %arg4[%swap3A, %swap3A_16] : memref<72x1024xf32, #tpu.memory_space<vmem>>, vector<72x1024xf32>
    tpu.vector_store %arg4[%swap3A, %swap3A_16], %broadcast_in_dim3A_15 {strides = array<i32>} : memref<72x1024xf32, #tpu.memory_space<vmem>>, vector<72x1024xf32>,
    %swap3A_18 = arith.constant 0 : index
    %swap3A_19 = arith.constant 0 : index
    %swap3A_20 = vector.load %arg4[%swap3A_18, %swap3A_19] : memref<72x1024xf32, #tpu.memory_space<vmem>>, vector<64x1024xf32>
    tpu.vector_store %arg4[%swap3A_18, %swap3A_19], %mul3A_13 {strides = array<i32>} : memref<72x1024xf32, #tpu.memory_space<vmem>>, vector<64x1024xf32>,
    %get3A_21 = arith.constant 0 : index
    %get3A_22 = arith.constant 0 : index
    %get3A_23 = vector.load %arg2[%get3A_21, %get3A_22] : memref<1024x16xf32, #tpu.memory_space<vmem>>, vector<1024x16xf32>
    %dot_general3A = arith.constant dense<0.000000e+00> : vector<64x16xf32>
    %dot_general3A_24 = tpu.matmul %mul3A_13, %get3A_23, %dot_general3A {dimension_numbers = #tpu.dot_dimension_numbers<[1], [0], [0], [1], [0, 0, 1, 1], [], []>, transpose_lhs_hint = false} : vector<64x1024xf32>, vector<1024x16xf32>, vector<64x16xf32> -> vector<64x16xf32>
    %logistic3A = arith.negf %dot_general3A_24 : vector<64x16xf32>
    %logistic3A_25 = math.exp %logistic3A : vector<64x16xf32>
    %logistic3A_26 = arith.constant 1.000000e+00 : f32
    %logistic3A_27 = vector.broadcast %logistic3A_26 : f32 to vector<64x16xf32>
    %logistic3A_28 = arith.addf %logistic3A_27, %logistic3A_25 : vector<64x16xf32>
    %logistic3A_29 = arith.divf %logistic3A_27, %logistic3A_28 : vector<64x16xf32>
    %get3A_30 = arith.constant 0 : index
    %get3A_31 = arith.constant 0 : index
    %get3A_32 = vector.load %arg3[%get3A_30, %get3A_31] : memref<1x16xf32, #tpu.memory_space<vmem>>, vector<1x16xf32>
    %add3A_33 = vector.broadcast %get3A_32 : vector<1x16xf32> to vector<64x16xf32>
    %add3A_34 = arith.addf %logistic3A_29, %add3A_33 : vector<64x16xf32>
    %iota3A = tpu.iota {dimensions = array<i32: 1>} : vector<64x16xi32>
    %reduce_max3A = arith.constant dense<0xFF800000> : vector<64xf32>
    %reduce_max3A_35 = vector.multi_reduction <maximumf>, %add3A_34, %reduce_max3A [1] : vector<64x16xf32> to vector<64xf32>
    %broadcast_in_dim3A_36 = vector.shape_cast %reduce_max3A_35 : vector<64xf32> to vector<64x1xf32>
    %eq3A = vector.broadcast %broadcast_in_dim3A_36 : vector<64x1xf32> to vector<64x16xf32>
    %eq3A_37 = arith.cmpf oeq, %add3A_34, %eq3A : vector<64x16xf32>
    %jit3A = arith.constant 16 : i32
    %broadcast_in_dim3A_38 = vector.broadcast %jit3A : i32 to vector<64x16xi32>
    %select_n3A = arith.select %eq3A_37, %iota3A, %broadcast_in_dim3A_38 : vector<64x16xi1>, vector<64x16xi32>
    %reduce_min3A = arith.constant dense<2147483647> : vector<64xi32>
    %reduce_min3A_39 = vector.multi_reduction <minsi>, %select_n3A, %reduce_min3A [1] : vector<64x16xi32> to vector<64xi32>
    %broadcast_in_dim3A_40 = vector.shape_cast %reduce_min3A_39 : vector<64xi32> to vector<64x1xi32>
    %eq3A_41 = vector.broadcast %broadcast_in_dim3A_40 : vector<64x1xi32> to vector<64x16xi32>
    %eq3A_42 = arith.cmpi eq, %iota3A, %eq3A_41 : vector<64x16xi32>
    %jit3A_43 = arith.constant 0xFF800000 : f32
    %broadcast_in_dim3A_44 = vector.broadcast %jit3A_43 : f32 to vector<64x16xf32>
    %select_n3A_45 = arith.select %eq3A_42, %broadcast_in_dim3A_44, %add3A_34 : vector<64x16xi1>, vector<64x16xf32>
    %reduce_max3A_46 = arith.constant dense<0xFF800000> : vector<64xf32>
    %reduce_max3A_47 = vector.multi_reduction <maximumf>, %select_n3A_45, %reduce_max3A_46 [1] : vector<64x16xf32> to vector<64xf32>
    %broadcast_in_dim3A_48 = vector.shape_cast %reduce_max3A_47 : vector<64xf32> to vector<64x1xf32>
    %eq3A_49 = vector.broadcast %broadcast_in_dim3A_48 : vector<64x1xf32> to vector<64x16xf32>
    %eq3A_50 = arith.cmpf oeq, %select_n3A_45, %eq3A_49 : vector<64x16xf32>
    %jit3A_51 = arith.constant 16 : i32
    %broadcast_in_dim3A_52 = vector.broadcast %jit3A_51 : i32 to vector<64x16xi32>
    %select_n3A_53 = arith.select %eq3A_50, %iota3A, %broadcast_in_dim3A_52 : vector<64x16xi1>, vector<64x16xi32>
    %reduce_min3A_54 = arith.constant dense<2147483647> : vector<64xi32>
    %reduce_min3A_55 = vector.multi_reduction <minsi>, %select_n3A_53, %reduce_min3A_54 [1] : vector<64x16xi32> to vector<64xi32>
    %broadcast_in_dim3A_56 = vector.shape_cast %reduce_min3A_55 : vector<64xi32> to vector<64x1xi32>
    %eq3A_57 = vector.broadcast %broadcast_in_dim3A_40 : vector<64x1xi32> to vector<64x16xi32>
    %eq3A_58 = arith.cmpi eq, %iota3A, %eq3A_57 : vector<64x16xi32>
    %jit3A_59 = arith.constant 0.000000e+00 : f32
    %broadcast_in_dim3A_60 = vector.broadcast %jit3A_59 : f32 to vector<64x16xf32>
    %select_n3A_61 = arith.select %eq3A_58, %logistic3A_29, %broadcast_in_dim3A_60 : vector<64x16xi1>, vector<64x16xf32>
    %reduce_sum3A_62 = arith.constant dense<0.000000e+00> : vector<64xf32>
    %reduce_sum3A_63 = vector.multi_reduction <add>, %select_n3A_61, %reduce_sum3A_62 [1] : vector<64x16xf32> to vector<64xf32>
    %broadcast_in_dim3A_64 = vector.shape_cast %reduce_sum3A_63 : vector<64xf32> to vector<64x1xf32>
    %eq3A_65 = vector.broadcast %broadcast_in_dim3A_56 : vector<64x1xi32> to vector<64x16xi32>
    %eq3A_66 = arith.cmpi eq, %iota3A, %eq3A_65 : vector<64x16xi32>
    %jit3A_67 = arith.constant 0.000000e+00 : f32
    %broadcast_in_dim3A_68 = vector.broadcast %jit3A_67 : f32 to vector<64x16xf32>
    %select_n3A_69 = arith.select %eq3A_66, %logistic3A_29, %broadcast_in_dim3A_68 : vector<64x16xi1>, vector<64x16xf32>
    %reduce_sum3A_70 = arith.constant dense<0.000000e+00> : vector<64xf32>
    %reduce_sum3A_71 = vector.multi_reduction <add>, %select_n3A_69, %reduce_sum3A_70 [1] : vector<64x16xf32> to vector<64xf32>
    %broadcast_in_dim3A_72 = vector.shape_cast %reduce_sum3A_71 : vector<64xf32> to vector<64x1xf32>
    %add3A_73 = arith.addf %broadcast_in_dim3A_64, %broadcast_in_dim3A_72 : vector<64x1xf32>
    %add3A_74 = arith.constant 9.99999971E-10 : f32
    %add3A_75 = vector.broadcast %add3A_74 : f32 to vector<64x1xf32>
    %add3A_76 = arith.addf %add3A_73, %add3A_75 : vector<64x1xf32>
    %div3A_77 = arith.divf %broadcast_in_dim3A_64, %add3A_76 : vector<64x1xf32>
    %div3A_78 = arith.divf %broadcast_in_dim3A_72, %add3A_76 : vector<64x1xf32>
    %eq3A_79 = vector.broadcast %broadcast_in_dim3A_40 : vector<64x1xi32> to vector<64x16xi32>
    %eq3A_80 = arith.cmpi eq, %iota3A, %eq3A_79 : vector<64x16xi32>
    %convert_element_type3A = arith.extui %eq3A_80 : vector<64x16xi1> to vector<64x16xi32>
    %convert_element_type3A_81 = arith.sitofp %convert_element_type3A : vector<64x16xi32> to vector<64x16xf32>
    %eq3A_82 = vector.broadcast %broadcast_in_dim3A_56 : vector<64x1xi32> to vector<64x16xi32>
    %eq3A_83 = arith.cmpi eq, %iota3A, %eq3A_82 : vector<64x16xi32>
    %convert_element_type3A_84 = arith.extui %eq3A_83 : vector<64x16xi1> to vector<64x16xi32>
    %convert_element_type3A_85 = arith.sitofp %convert_element_type3A_84 : vector<64x16xi32> to vector<64x16xf32>
    %add3A_86 = arith.addf %convert_element_type3A_81, %convert_element_type3A_85 : vector<64x16xf32>
    %iota3A_87 = tpu.iota {dimensions = array<i32: 0>} : vector<64x64xi32>
    %iota3A_88 = tpu.iota {dimensions = array<i32: 1>} : vector<64x64xi32>
    %lt3A = arith.cmpi slt, %iota3A_88, %iota3A_87 : vector<64x64xi32>
    %convert_element_type3A_89 = arith.extui %lt3A : vector<64x64xi1> to vector<64x64xi32>
    %convert_element_type3A_90 = arith.sitofp %convert_element_type3A_89 : vector<64x64xi32> to vector<64x64xf32>
    %dot_general3A_91 = arith.constant dense<0.000000e+00> : vector<64x16xf32>
    %dot_general3A_92 = tpu.matmul %convert_element_type3A_90, %add3A_86, %dot_general3A_91 {dimension_numbers = #tpu.dot_dimension_numbers<[1], [0], [0], [1], [0, 0, 1, 1], [], []>, transpose_lhs_hint = false} : vector<64x64xf32>, vector<64x16xf32>, vector<64x16xf32> -> vector<64x16xf32>
    %eq3A_93 = vector.broadcast %broadcast_in_dim3A_40 : vector<64x1xi32> to vector<64x16xi32>
    %eq3A_94 = arith.cmpi eq, %iota3A, %eq3A_93 : vector<64x16xi32>
    %jit3A_95 = arith.constant 0.000000e+00 : f32
    %broadcast_in_dim3A_96 = vector.broadcast %jit3A_95 : f32 to vector<64x16xf32>
    %select_n3A_97 = arith.select %eq3A_94, %dot_general3A_92, %broadcast_in_dim3A_96 : vector<64x16xi1>, vector<64x16xf32>
    %reduce_sum3A_98 = arith.constant dense<0.000000e+00> : vector<64xf32>
    %reduce_sum3A_99 = vector.multi_reduction <add>, %select_n3A_97, %reduce_sum3A_98 [1] : vector<64x16xf32> to vector<64xf32>
    %broadcast_in_dim3A_100 = vector.shape_cast %reduce_sum3A_99 : vector<64xf32> to vector<64x1xf32>
    %convert_element_type3A_101 = arith.fptosi %broadcast_in_dim3A_100 : vector<64x1xf32> to vector<64x1xi32>
    %eq3A_102 = vector.broadcast %broadcast_in_dim3A_56 : vector<64x1xi32> to vector<64x16xi32>
    %eq3A_103 = arith.cmpi eq, %iota3A, %eq3A_102 : vector<64x16xi32>
    %jit3A_104 = arith.constant 0.000000e+00 : f32
    %broadcast_in_dim3A_105 = vector.broadcast %jit3A_104 : f32 to vector<64x16xf32>
    %select_n3A_106 = arith.select %eq3A_103, %dot_general3A_92, %broadcast_in_dim3A_105 : vector<64x16xi1>, vector<64x16xf32>
    %reduce_sum3A_107 = arith.constant dense<0.000000e+00> : vector<64xf32>
    %reduce_sum3A_108 = vector.multi_reduction <add>, %select_n3A_106, %reduce_sum3A_107 [1] : vector<64x16xf32> to vector<64xf32>
    %broadcast_in_dim3A_109 = vector.shape_cast %reduce_sum3A_108 : vector<64xf32> to vector<64x1xf32>
    %convert_element_type3A_110 = arith.fptosi %broadcast_in_dim3A_109 : vector<64x1xf32> to vector<64x1xi32>
    %mul3A_111 = arith.constant 24 : i32
    %mul3A_112 = vector.broadcast %mul3A_111 : i32 to vector<64x1xi32>
    %mul3A_113 = arith.muli %broadcast_in_dim3A_40, %mul3A_112 : vector<64x1xi32>
    %add3A_114 = arith.addi %mul3A_113, %convert_element_type3A_101 : vector<64x1xi32>
    %mul3A_115 = arith.constant 24 : i32
    %mul3A_116 = vector.broadcast %mul3A_115 : i32 to vector<64x1xi32>
    %mul3A_117 = arith.muli %broadcast_in_dim3A_56, %mul3A_116 : vector<64x1xi32>
    %add3A_118 = arith.addi %mul3A_117, %convert_element_type3A_110 : vector<64x1xi32>
    %lt3A_119 = arith.constant 24 : i32
    %lt3A_120 = vector.broadcast %lt3A_119 : i32 to vector<64x1xi32>
    %lt3A_121 = arith.cmpi slt, %convert_element_type3A_101, %lt3A_120 : vector<64x1xi32>
    %lt3A_122 = arith.constant 24 : i32
    %lt3A_123 = vector.broadcast %lt3A_122 : i32 to vector<64x1xi32>
    %lt3A_124 = arith.cmpi slt, %convert_element_type3A_110, %lt3A_123 : vector<64x1xi32>
    %iota3A_125 = tpu.iota {dimensions = array<i32: 0>} : vector<128x64xi32>
    %jit3A_126 = arith.constant 2 : i32
    %div3A_127 = vector.broadcast %jit3A_126 : i32 to vector<128x64xi32>
    %div3A_128 = arith.divsi %iota3A_125, %div3A_127 : vector<128x64xi32>
    %sign3A = arith.constant 0 : i32
    %sign3A_129 = vector.broadcast %sign3A : i32 to vector<128x64xi32>
    %sign3A_130 = arith.cmpi sgt, %iota3A_125, %sign3A_129 : vector<128x64xi32>
    %sign3A_131 = arith.extui %sign3A_130 : vector<128x64xi1> to vector<128x64xi32>
    %sign3A_132 = arith.constant 0 : i32
    %sign3A_133 = vector.broadcast %sign3A_132 : i32 to vector<128x64xi32>
    %sign3A_134 = arith.cmpi slt, %iota3A_125, %sign3A_133 : vector<128x64xi32>
    %sign3A_135 = arith.extui %sign3A_134 : vector<128x64xi1> to vector<128x64xi32>
    %sign3A_136 = arith.subi %sign3A_131, %sign3A_135 : vector<128x64xi32>
    %sign3A_137 = arith.constant 0 : i32
    %sign3A_138 = arith.cmpi sgt, %jit3A_126, %sign3A_137 : i32
    %sign3A_139 = arith.extui %sign3A_138 : i1 to i32
    %sign3A_140 = arith.constant 0 : i32
    %sign3A_141 = arith.cmpi slt, %jit3A_126, %sign3A_140 : i32
    %sign3A_142 = arith.extui %sign3A_141 : i1 to i32
    %sign3A_143 = arith.subi %sign3A_139, %sign3A_142 : i32
    %ne3A = vector.broadcast %sign3A_143 : i32 to vector<128x64xi32>
    %ne3A_144 = arith.cmpi ne, %sign3A_136, %ne3A : vector<128x64xi32>
    %rem3A = vector.broadcast %jit3A_126 : i32 to vector<128x64xi32>
    %rem3A_145 = arith.remsi %iota3A_125, %rem3A : vector<128x64xi32>
    %ne3A_146 = arith.constant 0 : i32
    %ne3A_147 = vector.broadcast %ne3A_146 : i32 to vector<128x64xi32>
    %ne3A_148 = arith.cmpi ne, %rem3A_145, %ne3A_147 : vector<128x64xi32>
    %and3A = arith.andi %ne3A_144, %ne3A_148 : vector<128x64xi1>
    %sub3A = arith.constant 1 : i32
    %sub3A_149 = vector.broadcast %sub3A : i32 to vector<128x64xi32>
    %sub3A_150 = arith.subi %div3A_128, %sub3A_149 : vector<128x64xi32>
    %select_n3A_151 = arith.select %and3A, %sub3A_150, %div3A_128 : vector<128x64xi1>, vector<128x64xi32>
    %iota3A_152 = tpu.iota {dimensions = array<i32: 1>} : vector<128x64xi32>
    %eq3A_153 = arith.cmpi eq, %select_n3A_151, %iota3A_152 : vector<128x64xi32>
    %convert_element_type3A_154 = arith.extui %eq3A_153 : vector<128x64xi1> to vector<128x64xi32>
    %convert_element_type3A_155 = arith.sitofp %convert_element_type3A_154 : vector<128x64xi32> to vector<128x64xf32>
    %iota3A_156 = tpu.iota {dimensions = array<i32: 0>} : vector<128x1xi32>
    %jit3A_157 = arith.constant 2 : i32
    %eq3A_158 = arith.constant 0 : i32
    %eq3A_159 = arith.cmpi eq, %jit3A_157, %eq3A_158 : i32
    %jit3A_160 = arith.constant 1 : i32
    %select_n3A_161 = arith.select %eq3A_159, %jit3A_160, %jit3A_157 : i32
    %rem3A_162 = vector.broadcast %select_n3A_161 : i32 to vector<128x1xi32>
    %rem3A_163 = arith.remsi %iota3A_156, %rem3A_162 : vector<128x1xi32>
    %ne3A_164 = arith.constant 0 : i32
    %ne3A_165 = vector.broadcast %ne3A_164 : i32 to vector<128x1xi32>
    %ne3A_166 = arith.cmpi ne, %rem3A_163, %ne3A_165 : vector<128x1xi32>
    %lt3A_167 = arith.constant 0 : i32
    %lt3A_168 = vector.broadcast %lt3A_167 : i32 to vector<128x1xi32>
    %lt3A_169 = arith.cmpi slt, %rem3A_163, %lt3A_168 : vector<128x1xi32>
    %lt3A_170 = arith.constant 0 : i32
    %lt3A_171 = arith.cmpi slt, %select_n3A_161, %lt3A_170 : i32
    %ne3A_172 = vector.broadcast %lt3A_171 : i1 to vector<128x1xi1>
    %ne3A_173 = vector.broadcast %ne3A_172 : vector<128x1xi1> to vector<128x1xi1>
    %ne3A_174 = arith.xori %lt3A_169, %ne3A_173 : vector<128x1xi1>
    %and3A_175 = arith.andi %ne3A_174, %ne3A_166 : vector<128x1xi1>
    %add3A_176 = vector.broadcast %select_n3A_161 : i32 to vector<128x1xi32>
    %add3A_177 = arith.addi %rem3A_163, %add3A_176 : vector<128x1xi32>
    %select_n3A_178 = arith.select %and3A_175, %add3A_177, %rem3A_163 : vector<128x1xi1>, vector<128x1xi32>
    %eq3A_179 = arith.constant 0 : i32
    %eq3A_180 = vector.broadcast %eq3A_179 : i32 to vector<128x1xi32>
    %eq3A_181 = arith.cmpi eq, %select_n3A_178, %eq3A_180 : vector<128x1xi32>
    %convert_element_type3A_182 = arith.sitofp %add3A_114 : vector<64x1xi32> to vector<64x1xf32>
    %dot_general3A_183 = arith.constant dense<0.000000e+00> : vector<128x1xf32>
    %dot_general3A_184 = tpu.matmul %convert_element_type3A_155, %convert_element_type3A_182, %dot_general3A_183 {dimension_numbers = #tpu.dot_dimension_numbers<[1], [0], [0], [1], [0, 0, 1, 1], [], []>, precision = #tpu.contract_precision<fp32>, transpose_lhs_hint = false} : vector<128x64xf32>, vector<64x1xf32>, vector<128x1xf32> -> vector<128x1xf32>
    %convert_element_type3A_185 = arith.sitofp %add3A_118 : vector<64x1xi32> to vector<64x1xf32>
    %dot_general3A_186 = arith.constant dense<0.000000e+00> : vector<128x1xf32>
    %dot_general3A_187 = tpu.matmul %convert_element_type3A_155, %convert_element_type3A_185, %dot_general3A_186 {dimension_numbers = #tpu.dot_dimension_numbers<[1], [0], [0], [1], [0, 0, 1, 1], [], []>, precision = #tpu.contract_precision<fp32>, transpose_lhs_hint = false} : vector<128x64xf32>, vector<64x1xf32>, vector<128x1xf32> -> vector<128x1xf32>
    %convert_element_type3A_188 = arith.extui %lt3A_121 : vector<64x1xi1> to vector<64x1xi32>
    %convert_element_type3A_189 = arith.sitofp %convert_element_type3A_188 : vector<64x1xi32> to vector<64x1xf32>
    %dot_general3A_190 = arith.constant dense<0.000000e+00> : vector<128x1xf32>
    %dot_general3A_191 = tpu.matmul %convert_element_type3A_155, %convert_element_type3A_189, %dot_general3A_190 {dimension_numbers = #tpu.dot_dimension_numbers<[1], [0], [0], [1], [0, 0, 1, 1], [], []>, precision = #tpu.contract_precision<fp32>, transpose_lhs_hint = false} : vector<128x64xf32>, vector<64x1xf32>, vector<128x1xf32> -> vector<128x1xf32>
    %convert_element_type3A_192 = arith.extui %lt3A_124 : vector<64x1xi1> to vector<64x1xi32>
    %convert_element_type3A_193 = arith.sitofp %convert_element_type3A_192 : vector<64x1xi32> to vector<64x1xf32>
    %dot_general3A_194 = arith.constant dense<0.000000e+00> : vector<128x1xf32>
    %dot_general3A_195 = tpu.matmul %convert_element_type3A_155, %convert_element_type3A_193, %dot_general3A_194 {dimension_numbers = #tpu.dot_dimension_numbers<[1], [0], [0], [1], [0, 0, 1, 1], [], []>, precision = #tpu.contract_precision<fp32>, transpose_lhs_hint = false} : vector<128x64xf32>, vector<64x1xf32>, vector<128x1xf32> -> vector<128x1xf32>
    %dot_general3A_196 = arith.constant dense<0.000000e+00> : vector<128x1xf32>
    %dot_general3A_197 = tpu.matmul %convert_element_type3A_155, %div3A_77, %dot_general3A_196 {dimension_numbers = #tpu.dot_dimension_numbers<[1], [0], [0], [1], [0, 0, 1, 1], [], []>, precision = #tpu.contract_precision<fp32>, transpose_lhs_hint = false} : vector<128x64xf32>, vector<64x1xf32>, vector<128x1xf32> -> vector<128x1xf32>
    %dot_general3A_198 = arith.constant dense<0.000000e+00> : vector<128x1xf32>
    %dot_general3A_199 = tpu.matmul %convert_element_type3A_155, %div3A_78, %dot_general3A_198 {dimension_numbers = #tpu.dot_dimension_numbers<[1], [0], [0], [1], [0, 0, 1, 1], [], []>, precision = #tpu.contract_precision<fp32>, transpose_lhs_hint = false} : vector<128x64xf32>, vector<64x1xf32>, vector<128x1xf32> -> vector<128x1xf32>
    %select_n3A_200 = arith.select %eq3A_181, %dot_general3A_184, %dot_general3A_187 : vector<128x1xi1>, vector<128x1xf32>
    %select_n3A_201 = arith.select %eq3A_181, %dot_general3A_191, %dot_general3A_195 : vector<128x1xi1>, vector<128x1xf32>
    %select_n3A_202 = arith.select %eq3A_181, %dot_general3A_197, %dot_general3A_199 : vector<128x1xi1>, vector<128x1xf32>
    %gt3A = arith.constant 5.000000e-01 : f32
    %gt3A_203 = vector.broadcast %gt3A : f32 to vector<128x1xf32>
    %gt3A_204 = arith.cmpf ogt, %select_n3A_201, %gt3A_203 : vector<128x1xf32>
    %jit3A_205 = arith.constant 0.000000e+00 : f32
    %broadcast_in_dim3A_206 = vector.broadcast %jit3A_205 : f32 to vector<128x1xf32>
    %select_n3A_207 = arith.select %gt3A_204, %select_n3A_200, %broadcast_in_dim3A_206 : vector<128x1xi1>, vector<128x1xf32>
    %convert_element_type3A_208 = arith.fptosi %select_n3A_207 : vector<128x1xf32> to vector<128x1xi32>
    %reshape3A = vector.shape_cast %convert_element_type3A_208 : vector<128x1xi32> to vector<1x128xi32>
    %swap3A_209 = arith.constant 0 : index
    %swap3A_210 = arith.constant 0 : index
    %swap3A_211 = vector.load %arg6[%swap3A_209, %swap3A_210] : memref<1x128xi32, #tpu.memory_space<vmem>>, vector<1x128xi32>
    tpu.vector_store %arg6[%swap3A_209, %swap3A_210], %reshape3A {strides = array<i32>} : memref<1x128xi32, #tpu.memory_space<vmem>>, vector<1x128xi32>,
    %mul3A_212 = arith.mulf %select_n3A_202, %select_n3A_201 : vector<128x1xf32>
    %broadcast_in_dim3A_213 = arith.constant 1.000000e+00 : f32
    %broadcast_in_dim3A_214 = vector.broadcast %broadcast_in_dim3A_213 : f32 to vector<1x16xf32>
    %mul3A_215 = vector.broadcast %mul3A_212 : vector<128x1xf32> to vector<128x16xf32>
    %mul3A_216 = vector.broadcast %broadcast_in_dim3A_214 : vector<1x16xf32> to vector<128x16xf32>
    %mul3A_217 = arith.mulf %mul3A_215, %mul3A_216 : vector<128x16xf32>
    %swap3A_218 = arith.constant 0 : index
    %swap3A_219 = arith.constant 0 : index
    %swap3A_220 = vector.load %arg7[%swap3A_218, %swap3A_219] : memref<128x16xf32, #tpu.memory_space<vmem>>, vector<128x16xf32>
    tpu.vector_store %arg7[%swap3A_218, %swap3A_219], %mul3A_217 {strides = array<i32>} : memref<128x16xf32, #tpu.memory_space<vmem>>, vector<128x16xf32>,
    %iota3A_221 = tpu.iota {dimensions = array<i32: 1>} : vector<64x512xi32>
    %eq3A_222 = vector.broadcast %add3A_114 : vector<64x1xi32> to vector<64x512xi32>
    %eq3A_223 = arith.cmpi eq, %iota3A_221, %eq3A_222 : vector<64x512xi32>
    %and3A_224 = vector.broadcast %lt3A_121 : vector<64x1xi1> to vector<64x512xi1>
    %and3A_225 = arith.andi %eq3A_223, %and3A_224 : vector<64x512xi1>
    %jit3A_226 = arith.constant 1.000000e+00 : f32
    %jit3A_227 = arith.constant 0.000000e+00 : f32
    %broadcast_in_dim3A_228 = vector.broadcast %jit3A_226 : f32 to vector<64x512xf32>
    %broadcast_in_dim3A_229 = vector.broadcast %jit3A_227 : f32 to vector<64x512xf32>
    %select_n3A_230 = arith.select %and3A_225, %broadcast_in_dim3A_228, %broadcast_in_dim3A_229 : vector<64x512xi1>, vector<64x512xf32>
    %eq3A_231 = vector.broadcast %add3A_118 : vector<64x1xi32> to vector<64x512xi32>
    %eq3A_232 = arith.cmpi eq, %iota3A_221, %eq3A_231 : vector<64x512xi32>
    %and3A_233 = vector.broadcast %lt3A_124 : vector<64x1xi1> to vector<64x512xi1>
    %and3A_234 = arith.andi %eq3A_232, %and3A_233 : vector<64x512xi1>
    %jit3A_235 = arith.constant 1.000000e+00 : f32
    %jit3A_236 = arith.constant 0.000000e+00 : f32
    %broadcast_in_dim3A_237 = vector.broadcast %jit3A_235 : f32 to vector<64x512xf32>
    %broadcast_in_dim3A_238 = vector.broadcast %jit3A_236 : f32 to vector<64x512xf32>
    %select_n3A_239 = arith.select %and3A_234, %broadcast_in_dim3A_237, %broadcast_in_dim3A_238 : vector<64x512xi1>, vector<64x512xf32>
    %add3A_240 = arith.addf %select_n3A_230, %select_n3A_239 : vector<64x512xf32>
    %iota3A_241 = tpu.iota {dimensions = array<i32: 1>} : vector<1x64xi32>
    %convert_element_type3A_242 = arith.sitofp %iota3A_241 : vector<1x64xi32> to vector<1x64xf32>
    %dot_general3A_243 = arith.constant dense<0.000000e+00> : vector<1x512xf32>
    %dot_general3A_244 = tpu.matmul %convert_element_type3A_242, %add3A_240, %dot_general3A_243 {dimension_numbers = #tpu.dot_dimension_numbers<[1], [0], [0], [1], [0, 0, 1, 1], [], []>, precision = #tpu.contract_precision<fp32>, transpose_lhs_hint = false} : vector<1x64xf32>, vector<64x512xf32>, vector<1x512xf32> -> vector<1x512xf32>
    %broadcast_in_dim3A_245 = arith.constant 1.000000e+00 : f32
    %broadcast_in_dim3A_246 = vector.broadcast %broadcast_in_dim3A_245 : f32 to vector<1x64xf32>
    %dot_general3A_247 = arith.constant dense<0.000000e+00> : vector<1x512xf32>
    %dot_general3A_248 = tpu.matmul %broadcast_in_dim3A_246, %add3A_240, %dot_general3A_247 {dimension_numbers = #tpu.dot_dimension_numbers<[1], [0], [0], [1], [0, 0, 1, 1], [], []>, precision = #tpu.contract_precision<fp32>, transpose_lhs_hint = false} : vector<1x64xf32>, vector<64x512xf32>, vector<1x512xf32> -> vector<1x512xf32>
    %sub3A_249 = arith.constant 1.000000e+00 : f32
    %sub3A_250 = vector.broadcast %sub3A_249 : f32 to vector<1x512xf32>
    %sub3A_251 = arith.subf %sub3A_250, %dot_general3A_248 : vector<1x512xf32>
    %mul3A_252 = arith.constant 6.400000e+01 : f32
    %mul3A_253 = vector.broadcast %mul3A_252 : f32 to vector<1x512xf32>
    %mul3A_254 = arith.mulf %mul3A_253, %sub3A_251 : vector<1x512xf32>
    %add3A_255 = arith.addf %dot_general3A_244, %mul3A_254 : vector<1x512xf32>
    %convert_element_type3A_256 = arith.fptosi %add3A_255 : vector<1x512xf32> to vector<1x512xi32>
    %swap3A_257 = arith.constant 0 : index
    %swap3A_258 = arith.constant 0 : index
    %swap3A_259 = vector.load %arg5[%swap3A_257, %swap3A_258] : memref<1x512xi32, #tpu.memory_space<vmem>>, vector<1x512xi32>
    tpu.vector_store %arg5[%swap3A_257, %swap3A_258], %convert_element_type3A_256 {strides = array<i32>} : memref<1x512xi32, #tpu.memory_space<vmem>>, vector<1x512xi32>,
    return
  }
}

module attributes {stable_mosaic.version = 14 : i64} {
  func.func @_mlp_kernel(%arg0: i32, %arg1: i32, %arg2: memref<24x1024xf32, #tpu.memory_space<vmem>>, %arg3: memref<1x1024x1024xf32, #tpu.memory_space<vmem>>, %arg4: memref<1x1024x1024xf32, #tpu.memory_space<vmem>>, %arg5: memref<1x1024x1024xf32, #tpu.memory_space<vmem>>, %arg6: memref<24x1024xf32, #tpu.memory_space<vmem>>) attributes {dimension_semantics = [#tpu.dimension_semantics<arbitrary>, #tpu.dimension_semantics<arbitrary>], iteration_bounds = array<i64: 16, 2>, scalar_prefetch = 0 : i64, scratch_operands = 0 : i64, tpu.core_type = #tpu.core_type<tc>, window_params = [{transform_indices = @transform_0, window_bounds = array<i64: 24, 1024>}, {transform_indices = @transform_1, window_bounds = array<i64: 1, 1024, 1024>}, {transform_indices = @transform_2, window_bounds = array<i64: 1, 1024, 1024>}, {transform_indices = @transform_3, window_bounds = array<i64: 1, 1024, 1024>}, {transform_indices = @transform_4, window_bounds = array<i64: 24, 1024>}]} {
    %get3A = arith.constant 0 : index
    %get3A_0 = arith.constant 0 : index
    %get3A_1 = vector.load %arg2[%get3A, %get3A_0] : memref<24x1024xf32, #tpu.memory_space<vmem>>, vector<24x1024xf32>
    %get3A_2 = arith.constant 0 : index
    %get3A_3 = arith.constant 0 : index
    %get3A_4 = arith.constant 0 : index
    %get3A_5 = vector.load %arg3[%get3A_2, %get3A_3, %get3A_4] : memref<1x1024x1024xf32, #tpu.memory_space<vmem>>, vector<1x1024x1024xf32>
    %get3A_6 = vector.shape_cast %get3A_5 : vector<1x1024x1024xf32> to vector<1024x1024xf32>
    %dot_general3A = arith.constant dense<0.000000e+00> : vector<24x1024xf32>
    %dot_general3A_7 = tpu.matmul %get3A_1, %get3A_6, %dot_general3A {dimension_numbers = #tpu.dot_dimension_numbers<[1], [0], [0], [1], [0, 0, 1, 1], [], []>, transpose_lhs_hint = false} : vector<24x1024xf32>, vector<1024x1024xf32>, vector<24x1024xf32> -> vector<24x1024xf32>
    %get3A_8 = arith.constant 0 : index
    %get3A_9 = arith.constant 0 : index
    %get3A_10 = arith.constant 0 : index
    %get3A_11 = vector.load %arg4[%get3A_8, %get3A_9, %get3A_10] : memref<1x1024x1024xf32, #tpu.memory_space<vmem>>, vector<1x1024x1024xf32>
    %get3A_12 = vector.shape_cast %get3A_11 : vector<1x1024x1024xf32> to vector<1024x1024xf32>
    %dot_general3A_13 = arith.constant dense<0.000000e+00> : vector<24x1024xf32>
    %dot_general3A_14 = tpu.matmul %get3A_1, %get3A_12, %dot_general3A_13 {dimension_numbers = #tpu.dot_dimension_numbers<[1], [0], [0], [1], [0, 0, 1, 1], [], []>, transpose_lhs_hint = false} : vector<24x1024xf32>, vector<1024x1024xf32>, vector<24x1024xf32> -> vector<24x1024xf32>
    %logistic3A = arith.negf %dot_general3A_7 : vector<24x1024xf32>
    %logistic3A_15 = math.exp %logistic3A : vector<24x1024xf32>
    %logistic3A_16 = arith.constant 1.000000e+00 : f32
    %logistic3A_17 = vector.broadcast %logistic3A_16 : f32 to vector<24x1024xf32>
    %logistic3A_18 = arith.addf %logistic3A_17, %logistic3A_15 : vector<24x1024xf32>
    %logistic3A_19 = arith.divf %logistic3A_17, %logistic3A_18 : vector<24x1024xf32>
    %mul3A = arith.mulf %dot_general3A_7, %logistic3A_19 : vector<24x1024xf32>
    %mul3A_20 = arith.mulf %mul3A, %dot_general3A_14 : vector<24x1024xf32>
    %get3A_21 = arith.constant 0 : index
    %get3A_22 = arith.constant 0 : index
    %get3A_23 = arith.constant 0 : index
    %get3A_24 = vector.load %arg5[%get3A_21, %get3A_22, %get3A_23] : memref<1x1024x1024xf32, #tpu.memory_space<vmem>>, vector<1x1024x1024xf32>
    %get3A_25 = vector.shape_cast %get3A_24 : vector<1x1024x1024xf32> to vector<1024x1024xf32>
    %dot_general3A_26 = arith.constant dense<0.000000e+00> : vector<24x1024xf32>
    %dot_general3A_27 = tpu.matmul %mul3A_20, %get3A_25, %dot_general3A_26 {dimension_numbers = #tpu.dot_dimension_numbers<[1], [0], [0], [1], [0, 0, 1, 1], [], []>, transpose_lhs_hint = false} : vector<24x1024xf32>, vector<1024x1024xf32>, vector<24x1024xf32> -> vector<24x1024xf32>
    %eq3A = arith.constant 0 : i32
    %eq3A_28 = arith.cmpi eq, %arg1, %eq3A : i32
    %convert_element_type3A = arith.extui %eq3A_28 : i1 to i32
    %cond3A = arith.constant 0 : i32
    %cond3A_29 = arith.cmpi ne, %convert_element_type3A, %cond3A : i32
    scf.if %cond3A_29 {
      %swap3A = arith.constant 0 : index
      %swap3A_34 = arith.constant 0 : index
      %swap3A_35 = vector.load %arg6[%swap3A, %swap3A_34] : memref<24x1024xf32, #tpu.memory_space<vmem>>, vector<24x1024xf32>
      tpu.vector_store %arg6[%swap3A, %swap3A_34], %dot_general3A_27 {strides = array<i32>} : memref<24x1024xf32, #tpu.memory_space<vmem>>, vector<24x1024xf32>,
    } else {
    }
    %gt3A = arith.constant 0 : i32
    %gt3A_30 = arith.cmpi sgt, %arg1, %gt3A : i32
    %convert_element_type3A_31 = arith.extui %gt3A_30 : i1 to i32
    %cond3A_32 = arith.constant 0 : i32
    %cond3A_33 = arith.cmpi ne, %convert_element_type3A_31, %cond3A_32 : i32
    scf.if %cond3A_33 {
      %get3A_34 = arith.constant 0 : index
      %get3A_35 = arith.constant 0 : index
      %get3A_36 = vector.load %arg6[%get3A_34, %get3A_35] : memref<24x1024xf32, #tpu.memory_space<vmem>>, vector<24x1024xf32>
      %add3A = arith.addf %get3A_36, %dot_general3A_27 : vector<24x1024xf32>
      %swap3A = arith.constant 0 : index
      %swap3A_37 = arith.constant 0 : index
      %swap3A_38 = vector.load %arg6[%swap3A, %swap3A_37] : memref<24x1024xf32, #tpu.memory_space<vmem>>, vector<24x1024xf32>
      tpu.vector_store %arg6[%swap3A, %swap3A_37], %add3A {strides = array<i32>} : memref<24x1024xf32, #tpu.memory_space<vmem>>, vector<24x1024xf32>,
    } else {
    }
    return
  }
  func.func @transform_0(%arg0: i32, %arg1: i32) -> (i32, i32) {
    %c0_i32 = arith.constant 0 : i32
    %c0_i32_0 = arith.constant 0 : i32
    return %arg0, %c0_i32 : i32, i32
  }
  func.func @transform_1(%arg0: i32, %arg1: i32) -> (i32, i32, i32) {
    %c0_i32 = arith.constant 0 : i32
    %c0_i32_0 = arith.constant 0 : i32
    return %arg0, %c0_i32, %arg1 : i32, i32, i32
  }
  func.func @transform_2(%arg0: i32, %arg1: i32) -> (i32, i32, i32) {
    %c0_i32 = arith.constant 0 : i32
    %c0_i32_0 = arith.constant 0 : i32
    return %arg0, %c0_i32, %arg1 : i32, i32, i32
  }
  func.func @transform_3(%arg0: i32, %arg1: i32) -> (i32, i32, i32) {
    %c0_i32 = arith.constant 0 : i32
    %c0_i32_0 = arith.constant 0 : i32
    return %arg0, %arg1, %c0_i32 : i32, i32, i32
  }
  func.func @transform_4(%arg0: i32, %arg1: i32) -> (i32, i32) {
    %c0_i32 = arith.constant 0 : i32
    %c0_i32_0 = arith.constant 0 : i32
    return %arg0, %c0_i32 : i32, i32
  }
}

</mosaic_0001>

<sc_bundles>
// kernel: kernel.6.cloned.1.call-start
scs
__scs_entry_jumppad:
0x0: {  	(pc) =	sbr.rel $0x88, $3  }
0x1: {  	(tag) =	ssettag $0x0;
	lr =	simm.s32 $0x1  }
0x2: {  	[smem:$0x3F9A] =	sst lr;
	_ =	strace $0xD0000000  }
0x3: {  	_ = 	snop  }
0x4: {  	_ = 	snop  }
0x5: {  	_ = 	snop  }
0x6: {  	_ = 	snop  }
0x7: {  	_ = 	snop  }
__scs_overlays_trampoline_lowered:
0x8: {  	[smem:$0x3FA9] =	sst s0  }
0x9: {  	[smem:$0x3FAA] =	sst s1  }
0xa: {  	[smem:$0x3FAB] =	sst s2  }
0xb: {  	[smem:$0x3FAC] =	sst s3  }
0xc: {  	[smem:$0x3FAD] =	sst s4  }
0xd: {  	[smem:$0x3FAE] =	sst s5  }
0xe: {  	[smem:$0x3FAF] =	sst s6  }
0xf: {  	[smem:$0x3FB0] =	sst s7  }
0x10: {  	[smem:$0x3FB1] =	sst s8  }
0x11: {  	[smem:$0x3FB2] =	sst s9;
	s0 =	simm.s32 @!p0 $0x0  }
0x12: {  	s1 =	sld [smem:$0x3F98];
	s0 =	simm.s32 @p0 $0x1  }
0x13: {  	[smem:$0x3FB3] =	sst s0;
	s0 =	simm.s32 @!p1 $0x0  }
0x14: {  	s2 =	sld [smem:$0x3F97];
	s0 =	simm.s32 @p1 $0x1  }
0x15: {  	[smem:$0x3FB4] =	sst s0;
	s0 =	simm.s32 @!p2 $0x0  }
0x16: {  	s3 =	sld [smem:$0x3FDB];
	s0 =	simm.s32 @p2 $0x1  }
0x17: {  	s4 =	simm.s32 $0x1BF5;
	[smem:$0x3FB6] =	sst s0  }
0x18: {  	s0 =	sld [smem:$0x3F99];
	_ =	swait.ge [sflag:s4], $0x0  }
0x19: {  	s7 =	sld [smem:$0x3F9A]  }
0x1a: {  	s8 =	sadd.s32 $0xFFFFE003, lr  }
0x1b: {  	s9 =	sadd.s32 $0xFFFFFEF7, lr;
	s5 =	simm.s32 $0xFFFFFFFF;
	p2 =	slt.u32 s8, $0xFFFFF086  }
0x1c: {  	p1 =	slt.u32 s9, $0xF7A;
	s5 =	simm.s32 @!p2 $0x0  }
0x1d: {  	s5 =	simm.s32 @p1 $0x1;
	p0 =	seq.s32 s7, s2  }
0x1e: {  	s7 =	smul.u32 @!p0 $0xF7A, s2;
	p2 =	seq.s32 @!p0 s5, $0x0  }
0x1f: {  	s9 =	smul.u32 $0xF7A, s1;
	s8 =	simm.s32 @!p0 $0x1BF5;
	p2 =	por !p2, p0  }
0x20: {  	[sflag:s8] =	ssyncset.s32 @!p0 $0xFFFFF086;
	s6 =	sadd.s32 @!p0 s3, s7;
	s7 =	simm.s32 @!p0 $0x108  }
0x21: {  	s3 =	sadd.s32 s3, s9;
	s6 =	sadd.s32 @!p0 $0x88, s6;
	s7 =	simm.s32 @p2 $0x1082  }
0x22: {  	[simem:s7], [sflag:s8] =	dma.local @!p0 [hbm:s6], $0xF7A  }
0x23: {  	s9 =	sor.u32 $0xD0000000, s2;
	s6 =	simm.s32 $0x108;
	_ =	swait.ge @!p0 [sflag:s8], $0x0  }
0x24: {  	s3 =	sadd.s32 $0x88, s3;
	s6 =	simm.s32 @!p1 $0x1082;
	[sflag:s4] =	ssyncset.s32 $0xFFFFF086  }
0x25: {  	[simem:s6], [sflag:s4] =	dma.local [hbm:s3], $0xF7A  }
0x26: {  	[smem:$0x3F9A] =	sst s1;
	(tag) =	ssettag s2;
	_ =	strace s9  }
0x27: {  	s1 =	sld [smem:$0x3FAA]  }
0x28: {  	s2 =	sld [smem:$0x3FAB]  }
0x29: {  	s4 =	sld [smem:$0x3FAD]  }
0x2a: {  	p0 =	seq.s32 s5, $0x0;
	s5 =	sld [smem:$0x3FAE]  }
0x2b: {  	s6 =	sld [smem:$0x3FAF]  }
0x2c: {  	s7 =	sld [smem:$0x3FB0]  }
0x2d: {  	s3 =	simm.s32 $0x108;
	s8 =	sld [smem:$0x3FB1]  }
0x2e: {  	s3 =	simm.s32 @!p0 $0x1082;
	s9 =	sld [smem:$0x3FB2]  }
0x2f: {  	lr =	sadd.s32 s0, s3;
	s0 =	sld [smem:$0x3FA9]  }
0x30: {  	s3 =	sld [smem:$0x3FAC]  }
0x31: {  	[smem:$0x3FB5] =	sst s10  }
0x32: {  	s10 =	sld [smem:$0x3FB3];
	_ =	sdelay $0x3  }
0x33: {  	p0 =	seq.s32 s10, $0x1;
	s10 =	sld [smem:$0x3FB5];
	_ =	sdelay $0x3  }
0x34: {  	[smem:$0x3FB5] =	sst s10  }
0x35: {  	s10 =	sld [smem:$0x3FB4];
	_ =	sdelay $0x3  }
0x36: {  	p1 =	seq.s32 s10, $0x1;
	s10 =	sld [smem:$0x3FB5];
	_ =	sdelay $0x3  }
0x37: {  	[smem:$0x3FB5] =	sst s10  }
0x38: {  	s10 =	sld [smem:$0x3FB6]  }
0x39: {  	_ = 	snop;
	(pc) =	sbr.ind lr, $3  }
0x3a: {  	_ = 	snop  }
0x3b: {  	_ = 	snop  }
0x3c: {  	p2 =	seq.s32 s10, $0x1;
	s10 =	sld [smem:$0x3FB5]  }
0x3d: {  	_ =	shalt  }
0x3e: {  	_ =	shalt  }
0x3f: {  	_ =	shalt  }
0x40: {  	_ =	shalt  }
0x41: {  	_ =	shalt  }
0x42: {  	_ =	shalt  }
0x43: {  	_ =	shalt  }
0x44: {  	_ =	shalt  }
0x45: {  	_ =	shalt  }
0x46: {  	_ =	shalt  }
0x47: {  	_ =	shalt  }
0x48: {  	_ =	shalt  }
0x49: {  	_ =	shalt  }
0x4a: {  	_ =	shalt  }
0x4b: {  	_ =	shalt  }
0x4c: {  	_ =	shalt  }
0x4d: {  	_ =	shalt  }
0x4e: {  	_ =	shalt  }
0x4f: {  	_ =	shalt  }
0x50: {  	_ =	shalt  }
0x51: {  	_ =	shalt  }
0x52: {  	_ =	shalt  }
0x53: {  	_ =	shalt  }
0x54: {  	_ =	shalt  }
0x55: {  	_ =	shalt  }
0x56: {  	_ =	shalt  }
0x57: {  	_ =	shalt  }
0x58: {  	_ =	shalt  }
0x59: {  	_ =	shalt  }
0x5a: {  	_ =	shalt  }
0x5b: {  	_ =	shalt  }
0x5c: {  	_ =	shalt  }
0x5d: {  	_ =	shalt  }
0x5e: {  	_ =	shalt  }
0x5f: {  	_ =	shalt  }
0x60: {  	_ =	shalt  }
0x61: {  	_ =	shalt  }
0x62: {  	_ =	shalt  }
0x63: {  	_ =	shalt  }
0x64: {  	_ =	shalt  }
0x65: {  	_ =	shalt  }
0x66: {  	_ =	shalt  }
0x67: {  	_ =	shalt  }
0x68: {  	_ =	shalt  }
0x69: {  	_ =	shalt  }
0x6a: {  	_ =	shalt  }
0x6b: {  	_ =	shalt  }
0x6c: {  	_ =	shalt  }
0x6d: {  	_ =	shalt  }
0x6e: {  	_ =	shalt  }
0x6f: {  	_ =	shalt  }
0x70: {  	_ =	shalt  }
0x71: {  	_ =	shalt  }
0x72: {  	_ =	shalt  }
0x73: {  	_ =	shalt  }
0x74: {  	_ =	shalt  }
0x75: {  	_ =	shalt  }
0x76: {  	_ =	shalt  }
0x77: {  	_ =	shalt  }
0x78: {  	_ =	shalt  }
0x79: {  	_ =	shalt  }
0x7a: {  	_ =	shalt  }
0x7b: {  	_ =	shalt  }
0x7c: {  	_ =	shalt  }
0x7d: {  	_ =	shalt  }
0x7e: {  	_ =	shalt  }
0x7f: {  	_ =	shalt  }
0x80: {  	_ =	shalt  }
0x81: {  	_ =	shalt  }
0x82: {  	_ =	shalt  }
0x83: {  	_ =	shalt  }
0x84: {  	_ =	shalt  }
0x85: {  	_ =	shalt  }
0x86: {  	_ =	shalt  }
0x87: {  	_ =	shalt  }
.Lfunc_end0:
.L_simem_size_0:
called_computation_lowered:
.L_overlay_start_0:
0x88: {  	s2 =	sld [smem:$0x3FD9]  }
0x89: {  	s3 =	sld [smem:$0x3FFE];
	_ =	sdelay $0x1  }
0x8a: {  	s1 =	srdreg.scid  }
0x8b: {  	s0 =	sand.u32 $0x1, s1  }
0x8c: {  	s17 =	sshll.u32 s0, $0xA;
	s2 =	sadd.s32 s3, s2  }
0x8d: {  	s2 =	sadd.s32 s2, s17  }
0x8e: {  	[smem:$0x3FC1] =	sst s2  }
0x8f: {  	_ = 	snop  }
0x90: {  	s2 =	sld [smem:$0x3FD0];
	(tm) =	ssettm $0x1  }
0x91: {  	s18 =	sld [smem:$0x3FFB];
	_ =	sdelay $0x3  }
0x92: {  	_ =	strace s18  }
0x93: {  	s3 =	sld [smem:$0x3FFC];
	_ =	sdelay $0x3  }
0x94: {  	_ =	strace s3  }
0x95: {  	s3 =	sld [smem:$0x3FFD];
	_ =	sdelay $0x3  }
0x96: {  	_ =	strace s3  }
0x97: {  	_ =	strace $0x8FFFFFFF  }
0x98: {  	s19 =	sld [smem:$0x3FDB];
	_ =	sdelay $0x1  }
0x99: {  	s4 =	simm.s32 $_scs_section_size  }
0x9a: {  	s5 =	simm.s32 $_size__tile_overlayer_lowered;
	s6 =	simm.s32 $_tile_overlayer_lowered  }
0x9b: {  	s22 =	simm.s32 $0x1BFF;
	s21 =	sshll.u32 s6, $0x1;
	s3 =	sadd.s32 s4, s19  }
0x9c: {  	s7 =	simm.s32 $0x0;
	s20 =	sshll.u32 s5, $0x1;
	s5 =	sadd.s32 s21, s3  }
0x9d: {  	[timem:s7], [sflag:s22] =	dma.local [hbm:s5], s20  }
0x9e: {  	_ =	swait.ge [sflag:s22], s20  }
0x9f: {  	s4 =	ssub.s32 $0x0, s20;
	[sflag:s22] =	ssyncset.done $0x0  }
0xa0: {  	[sflag:s22] =	ssyncadd.s32 s4;
	_ =	sdelay $0x1  }
0xa1: {  	s23 =	simm.s32 $0x1B8B  }
0xa2: {  	_ =	swait.ge [sflag:s23], $0x1  }
0xa3: {  	[sflag:s23] =	ssyncset.done $0x0  }
0xa4: {  	s25 =	simm.s32 $0x1B8E;
	s24 =	sld [smem:$0x3FFE];
	[sflag:s23] =	ssyncadd.s32 $0xFFFFFFFF  }
0xa5: {  	s26 =	simm.s32 $execute0_lowered;
	[smem:$0x3FD2] =	sst s25  }
0xa6: {  	s5 =	sshll.u32 s26, $0x1;
	_ =	strace $0x80000046;
	[dreg:$0x1] =	wrdreg $0xFFFFFFFF  }
0xa7: {  	s28 =	simm.s32 $_size_execute0_lowered;
	s3 =	sadd.s32 s3, s5;
	[dreg:$0x0] =	wrdreg $0x0  }
0xa8: {  	s5 =	sshll.u32 s28, $0x1;
	[dreg:$0x2] =	wrdreg s3  }
0xa9: {  	[dreg:$0x3] =	wrdreg s5  }
0xaa: {  	[dreg:$0x4] =	wrdreg $0xC0  }
0xab: {  	_ =	task [dreg:s7], $0x5FFFF  }
0xac: {  	[dreg:$0x1] =	wrdreg $0xFFFFFFFF  }
0xad: {  	[dreg:$0x0] =	wrdreg $0x60  }
0xae: {  	[dreg:$0x2] =	wrdreg s24  }
0xaf: {  	[dreg:$0x3] =	wrdreg s2  }
0xb0: {  	[dreg:$0x4] =	wrdreg $0x9  }
0xb1: {  	_ =	task.clear_ibuf [dreg:s7], $0x5FFFF;
	_ =	strace $0x90000046  }
0xb2: {  	s29 =	simm.s32 $0x9;
	_ =	strace $0x80000048  }
0xb3: {  	_ =	swait.ge [sflag:s29], $0x1  }
0xb4: {  	[sflag:s29] =	ssyncadd.s32 $0xFFFFFFFF  }
0xb5: {  	_ =	strace $0x90000048  }
0xb6: {  	_ =	sfence  }
0xb7: {  	s30 =	sld [smem:$0x0];
	_ =	sdelay $0x2  }
0xb8: {  	s31 =	sshll.u32 s1, $0xD;
	s1 =	sshrl.u32 s1, $0x2  }
0xb9: {  	s3 =	sand.u32 $0x4000, s31;
	s1 =	sadd.s32 s1, s30  }
0xba: {  	s0 =	sor.u32 s3, s0;
	s1 =	sshll.u32 s1, $0x11  }
0xbb: {  	s0 =	sor.u32 s1, s0  }
0xbc: {  	s0 =	sadd.s32 $0x8F2B, s0  }
0xbd: {  	[sflag:s0] =	ssyncadd.remote.s32 $0x1  }
0xbe: {  	_ =	sfence.sel $0xFFFF  }
0xbf: {  	[dreg:$0x0] =	wrdreg $0xFFFFFFFF;
	(pc) =	sbr.abs _section_cstart, $3  }
0xc0: {  	[dreg:$0x1] =	wrdreg $0xFFFFFFFF  }
0xc1: {  	_ =	task.clear_ibuf [dreg:s7], $0x2FFFF;
	_ =	strace $0x9FFFFFFF  }
0xc2: {  	(tm) =	ssettm $0x7FFFFFFF  }
0xc3: {  	_ =	shalt  }
tec
execute0_lowered:
.L_overlay_start_1:
0x0: {  	(tag) =	ssettag $0x1  }
0x1: {  	s18 =	rddreg [dreg:$0x0]  }
0x2: {  	s1 =	srdreg.scid;
	s0 =	stileid.u32  }
0x3: {  	s3 =	rddreg [dreg:$0x1];
	s16 =	sand.u32 $0x1, s1;
	s4 =	sshll.u32 s0, $0x1  }
0x4: {  	s2 =	simm.s32 $0x0;
	s1 =	rddreg [dreg:$0x2];
	s19 =	sor.u32 s16, s4  }
0x5: {  	[smem:$0x7FF] =	sst s2;
	s4 =	sshll.u32 s19, $0x4  }
0x6: {  	_ =	strace $0x80000047;
	s4 =	sadd.s32 s3, s4;
	s3 =	simm.s32 $0x2  }
0x7: {  	[tilespmem:s2], [sflag:$0x2] =	stream.linear.gather [hbm4b:s4+s2], $0x80, $0x38;
	[tilespmem:$0x4080] =	vst v63  }
0x8: {  	_ =	swait.ge [sflag:s3], $0x80  }
0x9: {  	[sflag:s3] =	ssyncset.done $0x0  }
0xa: {  	[sflag:s3] =	ssyncadd.s32 $0xFFFFFF80  }
0xb: {  	v0 =	vld [tilespmem:$0x0];
	_ =	sdelay $0x4  }
0xc: {  	v1 =	vshll.u32 v0, $0x3  }
0xd: {  	v2 =	vlaneseq.u32;
	v3 =	vand.u32 $0x7, v0;
	v1 =	vand.u32 $0xFFFFFFC0, v1  }
0xe: {  	v4 =	vshrl.u32 v2, $0x3;
	v0 =	vand.u32 $0x7, v2;
	v3 =	vor.u32 v3, v1  }
0xf: {  	v1 =	vmul.u32 $0x8, v4;
	v63 =	vperm.xlane v3, v0;
	_ =	sdelay $0x1  }
0x10: {  	v4 =	vadd.s32 v1, v63;
	_ =	sdelay $0x3  }
0x11: {  	vm0 =	vmmov $0xffff;
	s6 =	simm.s32 $0x80;
	s5 =	sadd.s32 $0xC00, s18  }
0x12: {  	v2 =	vor.u32 $0x8, v2;
	[tilespmem:s6], [sflag:$0x1] =	stream.indirect_vreg.gather [hbm4b:s5+s2], $0x80, v4, vm0, $0xb8;
	[tilespmem:$0x4080] =	vst v63  }
0x13: {  	s8 =	simm.s32 $0x880;
	s7 =	sadd.s32 $0xD00, s18;
	v3 =	vperm.xlane v3, v2  }
0x14: {  	[tilespmem:s8], [sflag:$0x1] =	stream.indirect_vreg.gather [hbm4b:s7+s2], $0x80, v4, vm0, $0xb8;
	[tilespmem:$0x4080] =	vst v63  }
0x15: {  	s10 =	simm.s32 $0x1080;
	s9 =	sadd.s32 $0xE00, s18;
	v3 =	vadd.s32 v1, v3  }
0x16: {  	[tilespmem:s10], [sflag:$0x1] =	stream.indirect_vreg.gather [hbm4b:s9+s2], $0x80, v4, vm0, $0xb8;
	[tilespmem:$0x4080] =	vst v63  }
0x17: {  	s12 =	simm.s32 $0x1880;
	s11 =	sadd.s32 $0xF00, s18  }
0x18: {  	[tilespmem:s12], [sflag:$0x1] =	stream.indirect_vreg.gather [hbm4b:s11+s2], $0x80, v4, vm0, $0xb8;
	[tilespmem:$0x4080] =	vst v63  }
0x19: {  	s13 =	simm.s32 $0x2080;
	s20 =	ssub.s32 $0x2, s16  }
0x1a: {  	[tilespmem:s13], [sflag:$0x1] =	stream.indirect_vreg.gather [hbm4b:s5+s2], $0x80, v3, vm0, $0xb8;
	[tilespmem:$0x4080] =	vst v63  }
0x1b: {  	s14 =	simm.s32 $0x2880;
	s15 =	simm.s32 $0x3080;
	s21 =	sshrl.u32 s20, $0x1  }
0x1c: {  	[tilespmem:s14], [sflag:$0x1] =	stream.indirect_vreg.gather [hbm4b:s7+s2], $0x80, v3, vm0, $0xb8;
	[tilespmem:$0x4080] =	vst v63  }
0x1d: {  	s17 =	simm.s32 $0x1;
	s19 =	sshll.u32 s19, $0xB;
	s31 =	ssub.s32 s20, s21  }
0x1e: {  	[tilespmem:s15], [sflag:$0x1] =	stream.indirect_vreg.gather [hbm4b:s9+s2], $0x80, v3, vm0, $0xb8;
	[tilespmem:$0x4080] =	vst v63  }
0x1f: {  	s16 =	simm.s32 $0x3880;
	s18 =	sadd.s32 s19, s18;
	s19 =	smax.u32 s31, $0x1  }
0x20: {  	[tilespmem:s16], [sflag:$0x1] =	stream.indirect_vreg.gather [hbm4b:s11+s2], $0x80, v3, vm0, $0xb8;
	[tilespmem:$0x4080] =	vst v63  }
0x21: {  	p0 =	sne.s32 s19, $0x1;
	_ =	swait.ge [sflag:s17], $0x4000  }
.Ltmp0:
0x22: {  	[sflag:s17] =	ssyncset.done $0x0;
	(pc) =	sbr.rel @!p0 .LBB2_2-.Ltmp0, $4  }
0x23: {  	s18 =	sadd.s32 $0x3A00, s18;
	[sflag:s17] =	ssyncadd.s32 $0xFFFFC000  }
0x24: {  	[hbm4b:s18+s2] =	stream.linear.scatter [tilespmem:s6], [sflag:$0x2], $0x4000, $0x38;
	[tilespmem:$0x4080] =	vst v63  }
0x25: {  	_ =	swait.ge [sflag:s3], $0x4000  }
0x26: {  	s19 =	sadd.s32 $0xFFFFFFFF, s19;
	[sflag:s3] =	ssyncset.done $0x0  }
.LBB2_1:
0x27: {  	p0 =	sne.s32 s19, $0x1;
	s19 =	sadd.s32 $0xFFFFFFFF, s19;
	[sflag:s3] =	ssyncadd.s32 $0xFFFFC000  }
0x28: {  	[tilespmem:s2], [sflag:$0x2] =	stream.linear.gather [hbm4b:s4+s2], $0x80, $0x38;
	[tilespmem:$0x4080] =	vst v63  }
0x29: {  	_ =	swait.ge [sflag:s3], $0x80  }
0x2a: {  	[sflag:s3] =	ssyncset.done $0x0  }
0x2b: {  	[sflag:s3] =	ssyncadd.s32 $0xFFFFFF80  }
0x2c: {  	v3 =	vld [tilespmem:$0x0];
	_ =	sdelay $0x4  }
0x2d: {  	v4 =	vshll.u32 v3, $0x3  }
0x2e: {  	v3 =	vand.u32 $0x7, v3;
	v4 =	vand.u32 $0xFFFFFFC0, v4  }
0x2f: {  	v3 =	vor.u32 v3, v4  }
0x30: {  	v4 =	vperm.xlane v3, v0;
	v3 =	vperm.xlane v3, v2;
	_ =	sdelay $0x1  }
0x31: {  	v4 =	vadd.s32 v1, v4;
	_ =	sdelay $0x4  }
0x32: {  	[tilespmem:s6], [sflag:$0x1] =	stream.indirect_vreg.gather [hbm4b:s5+s2], $0x80, v4, vm0, $0xb8;
	[tilespmem:$0x4080] =	vst v63  }
0x33: {  	_ = 	snop  }
0x34: {  	[tilespmem:s8], [sflag:$0x1] =	stream.indirect_vreg.gather [hbm4b:s7+s2], $0x80, v4, vm0, $0xb8;
	[tilespmem:$0x4080] =	vst v63  }
0x35: {  	v3 =	vadd.s32 v1, v3  }
0x36: {  	[tilespmem:s10], [sflag:$0x1] =	stream.indirect_vreg.gather [hbm4b:s9+s2], $0x80, v4, vm0, $0xb8;
	[tilespmem:$0x4080] =	vst v63  }
0x37: {  	_ = 	snop  }
0x38: {  	[tilespmem:s12], [sflag:$0x1] =	stream.indirect_vreg.gather [hbm4b:s11+s2], $0x80, v4, vm0, $0xb8;
	[tilespmem:$0x4080] =	vst v63  }
0x39: {  	_ = 	snop  }
0x3a: {  	[tilespmem:s13], [sflag:$0x1] =	stream.indirect_vreg.gather [hbm4b:s5+s2], $0x80, v3, vm0, $0xb8;
	[tilespmem:$0x4080] =	vst v63  }
0x3b: {  	_ = 	snop  }
0x3c: {  	[tilespmem:s14], [sflag:$0x1] =	stream.indirect_vreg.gather [hbm4b:s7+s2], $0x80, v3, vm0, $0xb8;
	[tilespmem:$0x4080] =	vst v63  }
0x3d: {  	_ = 	snop  }
0x3e: {  	[tilespmem:s15], [sflag:$0x1] =	stream.indirect_vreg.gather [hbm4b:s9+s2], $0x80, v3, vm0, $0xb8;
	[tilespmem:$0x4080] =	vst v63  }
0x3f: {  	_ = 	snop  }
0x40: {  	[tilespmem:s16], [sflag:$0x1] =	stream.indirect_vreg.gather [hbm4b:s11+s2], $0x80, v3, vm0, $0xb8;
	[tilespmem:$0x4080] =	vst v63  }
0x41: {  	_ =	swait.ge [sflag:s17], $0x4000  }
.Ltmp1:
0x42: {  	[sflag:s17] =	ssyncset.done $0x0;
	(pc) =	sbr.rel @p0 .LBB2_1-.Ltmp1, $4  }
0x43: {  	[sflag:s17] =	ssyncadd.s32 $0xFFFFC000  }
0x44: {  	[hbm4b:s18+s2] =	stream.linear.scatter [tilespmem:s6], [sflag:$0x2], $0x4000, $0x38;
	[tilespmem:$0x4080] =	vst v63  }
0x45: {  	_ =	swait.ge [sflag:s3], $0x4000  }
0x46: {  	[sflag:s3] =	ssyncset.done $0x0  }
.LBB2_2:
0x47: {  	[sflag:s3] =	ssyncadd.s32 $0xFFFFC000  }
0x48: {  	_ =	sfence.sel $0x180000  }
0x49: {  	[bflag:$0x0] =	sbarrier.arrive $0xFFFF  }
0x4a: {  	p0 =	sne.s32 s0, $0x0;
	_ =	strace $0x90000047  }
0x4b: {  	s0 =	sadd.s32 @!p0 $0x100000, s1;
	[bflag:$0x2] =	sbarrier.arrive $0xFFFF  }
0x4c: {  	[sflag:s0] =	ssyncadd.tile.s32 @!p0 $0x1;
	_ =	shalt  }
.Lfunc_end2:
_tile_overlayer_lowered:
.L_overlay_start_2:
0x4d: {  	(tag) =	ssettag $0x2  }
0x4e: {  	s0 =	rddreg [dreg:$0x0];
	s2 =	stileid.u32  }
0x4f: {  	s1 =	rddreg [dreg:$0x1];
	p0 =	sne.s32 s2, $0x0  }
0x50: {  	s3 =	rddreg [dreg:$0x2];
	[bflag:$0x3] =	sbarrier.arrive $0xFFFF;
	s2 =	simm.s32 @!p0 $0x1C02  }
0x51: {  	[timem:s3], [sflag:s2] =	dma.local @!p0 [hbm:s0], s1  }
0x52: {  	s0 =	simm.s32 @!p0 $0x2  }
0x53: {  	_ =	swait.ge @!p0 [sflag:s0], s1  }
0x54: {  	s1 =	ssub.s32 @!p0 $0x0, s1;
	[sflag:s0] =	ssyncset.done @!p0 $0x0  }
0x55: {  	[sflag:s0] =	ssyncadd.s32 @!p0 s1  }
0x56: {  	[bflag:$0x3] =	sbarrier.arrive $0xFFFF  }
0x57: {  	_ =	shalt  }

// kernel: kernel.9.cloned.1.call-start
scs
__scs_entry_jumppad:
0x0: {  	(pc) =	sbr.rel $0x88, $3  }
0x1: {  	(tag) =	ssettag $0x0;
	lr =	simm.s32 $0x1  }
0x2: {  	[smem:$0x3F9A] =	sst lr;
	_ =	strace $0xD0000000  }
0x3: {  	_ = 	snop  }
0x4: {  	_ = 	snop  }
0x5: {  	_ = 	snop  }
0x6: {  	_ = 	snop  }
0x7: {  	_ = 	snop  }
__scs_overlays_trampoline_lowered:
0x8: {  	[smem:$0x3FA9] =	sst s0  }
0x9: {  	[smem:$0x3FAA] =	sst s1  }
0xa: {  	[smem:$0x3FAB] =	sst s2  }
0xb: {  	[smem:$0x3FAC] =	sst s3  }
0xc: {  	[smem:$0x3FAD] =	sst s4  }
0xd: {  	[smem:$0x3FAE] =	sst s5  }
0xe: {  	[smem:$0x3FAF] =	sst s6  }
0xf: {  	[smem:$0x3FB0] =	sst s7  }
0x10: {  	[smem:$0x3FB1] =	sst s8  }
0x11: {  	[smem:$0x3FB2] =	sst s9;
	s0 =	simm.s32 @!p0 $0x0  }
0x12: {  	s1 =	sld [smem:$0x3F98];
	s0 =	simm.s32 @p0 $0x1  }
0x13: {  	[smem:$0x3FB3] =	sst s0;
	s0 =	simm.s32 @!p1 $0x0  }
0x14: {  	s2 =	sld [smem:$0x3F97];
	s0 =	simm.s32 @p1 $0x1  }
0x15: {  	[smem:$0x3FB4] =	sst s0;
	s0 =	simm.s32 @!p2 $0x0  }
0x16: {  	s3 =	sld [smem:$0x3FDB];
	s0 =	simm.s32 @p2 $0x1  }
0x17: {  	s4 =	simm.s32 $0x1BF5;
	[smem:$0x3FB6] =	sst s0  }
0x18: {  	s0 =	sld [smem:$0x3F99];
	_ =	swait.ge [sflag:s4], $0x0  }
0x19: {  	s7 =	sld [smem:$0x3F9A]  }
0x1a: {  	s8 =	sadd.s32 $0xFFFFE003, lr  }
0x1b: {  	s9 =	sadd.s32 $0xFFFFFEF7, lr;
	s5 =	simm.s32 $0xFFFFFFFF;
	p2 =	slt.u32 s8, $0xFFFFF086  }
0x1c: {  	p1 =	slt.u32 s9, $0xF7A;
	s5 =	simm.s32 @!p2 $0x0  }
0x1d: {  	s5 =	simm.s32 @p1 $0x1;
	p0 =	seq.s32 s7, s2  }
0x1e: {  	s7 =	smul.u32 @!p0 $0xF7A, s2;
	p2 =	seq.s32 @!p0 s5, $0x0  }
0x1f: {  	s9 =	smul.u32 $0xF7A, s1;
	s8 =	simm.s32 @!p0 $0x1BF5;
	p2 =	por !p2, p0  }
0x20: {  	[sflag:s8] =	ssyncset.s32 @!p0 $0xFFFFF086;
	s6 =	sadd.s32 @!p0 s3, s7;
	s7 =	simm.s32 @!p0 $0x108  }
0x21: {  	s3 =	sadd.s32 s3, s9;
	s6 =	sadd.s32 @!p0 $0x88, s6;
	s7 =	simm.s32 @p2 $0x1082  }
0x22: {  	[simem:s7], [sflag:s8] =	dma.local @!p0 [hbm:s6], $0xF7A  }
0x23: {  	s9 =	sor.u32 $0xD0000000, s2;
	s6 =	simm.s32 $0x108;
	_ =	swait.ge @!p0 [sflag:s8], $0x0  }
0x24: {  	s3 =	sadd.s32 $0x88, s3;
	s6 =	simm.s32 @!p1 $0x1082;
	[sflag:s4] =	ssyncset.s32 $0xFFFFF086  }
0x25: {  	[simem:s6], [sflag:s4] =	dma.local [hbm:s3], $0xF7A  }
0x26: {  	[smem:$0x3F9A] =	sst s1;
	(tag) =	ssettag s2;
	_ =	strace s9  }
0x27: {  	s1 =	sld [smem:$0x3FAA]  }
0x28: {  	s2 =	sld [smem:$0x3FAB]  }
0x29: {  	s4 =	sld [smem:$0x3FAD]  }
0x2a: {  	p0 =	seq.s32 s5, $0x0;
	s5 =	sld [smem:$0x3FAE]  }
0x2b: {  	s6 =	sld [smem:$0x3FAF]  }
0x2c: {  	s7 =	sld [smem:$0x3FB0]  }
0x2d: {  	s3 =	simm.s32 $0x108;
	s8 =	sld [smem:$0x3FB1]  }
0x2e: {  	s3 =	simm.s32 @!p0 $0x1082;
	s9 =	sld [smem:$0x3FB2]  }
0x2f: {  	lr =	sadd.s32 s0, s3;
	s0 =	sld [smem:$0x3FA9]  }
0x30: {  	s3 =	sld [smem:$0x3FAC]  }
0x31: {  	[smem:$0x3FB5] =	sst s10  }
0x32: {  	s10 =	sld [smem:$0x3FB3];
	_ =	sdelay $0x3  }
0x33: {  	p0 =	seq.s32 s10, $0x1;
	s10 =	sld [smem:$0x3FB5];
	_ =	sdelay $0x3  }
0x34: {  	[smem:$0x3FB5] =	sst s10  }
0x35: {  	s10 =	sld [smem:$0x3FB4];
	_ =	sdelay $0x3  }
0x36: {  	p1 =	seq.s32 s10, $0x1;
	s10 =	sld [smem:$0x3FB5];
	_ =	sdelay $0x3  }
0x37: {  	[smem:$0x3FB5] =	sst s10  }
0x38: {  	s10 =	sld [smem:$0x3FB6]  }
0x39: {  	_ = 	snop;
	(pc) =	sbr.ind lr, $3  }
0x3a: {  	_ = 	snop  }
0x3b: {  	_ = 	snop  }
0x3c: {  	p2 =	seq.s32 s10, $0x1;
	s10 =	sld [smem:$0x3FB5]  }
0x3d: {  	_ =	shalt  }
0x3e: {  	_ =	shalt  }
0x3f: {  	_ =	shalt  }
0x40: {  	_ =	shalt  }
0x41: {  	_ =	shalt  }
0x42: {  	_ =	shalt  }
0x43: {  	_ =	shalt  }
0x44: {  	_ =	shalt  }
0x45: {  	_ =	shalt  }
0x46: {  	_ =	shalt  }
0x47: {  	_ =	shalt  }
0x48: {  	_ =	shalt  }
0x49: {  	_ =	shalt  }
0x4a: {  	_ =	shalt  }
0x4b: {  	_ =	shalt  }
0x4c: {  	_ =	shalt  }
0x4d: {  	_ =	shalt  }
0x4e: {  	_ =	shalt  }
0x4f: {  	_ =	shalt  }
0x50: {  	_ =	shalt  }
0x51: {  	_ =	shalt  }
0x52: {  	_ =	shalt  }
0x53: {  	_ =	shalt  }
0x54: {  	_ =	shalt  }
0x55: {  	_ =	shalt  }
0x56: {  	_ =	shalt  }
0x57: {  	_ =	shalt  }
0x58: {  	_ =	shalt  }
0x59: {  	_ =	shalt  }
0x5a: {  	_ =	shalt  }
0x5b: {  	_ =	shalt  }
0x5c: {  	_ =	shalt  }
0x5d: {  	_ =	shalt  }
0x5e: {  	_ =	shalt  }
0x5f: {  	_ =	shalt  }
0x60: {  	_ =	shalt  }
0x61: {  	_ =	shalt  }
0x62: {  	_ =	shalt  }
0x63: {  	_ =	shalt  }
0x64: {  	_ =	shalt  }
0x65: {  	_ =	shalt  }
0x66: {  	_ =	shalt  }
0x67: {  	_ =	shalt  }
0x68: {  	_ =	shalt  }
0x69: {  	_ =	shalt  }
0x6a: {  	_ =	shalt  }
0x6b: {  	_ =	shalt  }
0x6c: {  	_ =	shalt  }
0x6d: {  	_ =	shalt  }
0x6e: {  	_ =	shalt  }
0x6f: {  	_ =	shalt  }
0x70: {  	_ =	shalt  }
0x71: {  	_ =	shalt  }
0x72: {  	_ =	shalt  }
0x73: {  	_ =	shalt  }
0x74: {  	_ =	shalt  }
0x75: {  	_ =	shalt  }
0x76: {  	_ =	shalt  }
0x77: {  	_ =	shalt  }
0x78: {  	_ =	shalt  }
0x79: {  	_ =	shalt  }
0x7a: {  	_ =	shalt  }
0x7b: {  	_ =	shalt  }
0x7c: {  	_ =	shalt  }
0x7d: {  	_ =	shalt  }
0x7e: {  	_ =	shalt  }
0x7f: {  	_ =	shalt  }
0x80: {  	_ =	shalt  }
0x81: {  	_ =	shalt  }
0x82: {  	_ =	shalt  }
0x83: {  	_ =	shalt  }
0x84: {  	_ =	shalt  }
0x85: {  	_ =	shalt  }
0x86: {  	_ =	shalt  }
0x87: {  	_ =	shalt  }
.Lfunc_end0:
.L_simem_size_0:
called_computation.1_lowered:
.L_overlay_start_0:
0x88: {  	s2 =	sld [smem:$0x3FD9]  }
0x89: {  	s3 =	sld [smem:$0x3FFE];
	_ =	sdelay $0x1  }
0x8a: {  	s1 =	srdreg.scid  }
0x8b: {  	s0 =	sand.u32 $0x1, s1  }
0x8c: {  	s17 =	sshll.u32 s0, $0xA;
	s2 =	sadd.s32 s3, s2  }
0x8d: {  	s2 =	sadd.s32 s2, s17  }
0x8e: {  	[smem:$0x3FC1] =	sst s2  }
0x8f: {  	_ = 	snop  }
0x90: {  	s2 =	sld [smem:$0x3FC9]  }
0x91: {  	s18 =	sld [smem:$0x3FD0];
	(tm) =	ssettm $0x1  }
0x92: {  	s4 =	sld [smem:$0x3FFB];
	_ =	sdelay $0x3  }
0x93: {  	_ =	strace s4  }
0x94: {  	s4 =	sld [smem:$0x3FFC];
	_ =	sdelay $0x3  }
0x95: {  	_ =	strace s4  }
0x96: {  	s4 =	sld [smem:$0x3FFD];
	_ =	sdelay $0x3  }
0x97: {  	_ =	strace s4  }
0x98: {  	_ =	strace $0x8FFFFFFF  }
0x99: {  	s19 =	sld [smem:$0x3FDB];
	_ =	sdelay $0x1  }
0x9a: {  	s5 =	simm.s32 $_scs_section_size  }
0x9b: {  	s6 =	simm.s32 $_size__tile_overlayer_lowered;
	s7 =	simm.s32 $_tile_overlayer_lowered  }
0x9c: {  	s22 =	simm.s32 $0x1BFF;
	s21 =	sshll.u32 s7, $0x1;
	s4 =	sadd.s32 s5, s19  }
0x9d: {  	s8 =	simm.s32 $0x0;
	s20 =	sshll.u32 s6, $0x1;
	s6 =	sadd.s32 s21, s4  }
0x9e: {  	[timem:s8], [sflag:s22] =	dma.local [hbm:s6], s20  }
0x9f: {  	_ =	swait.ge [sflag:s22], s20  }
0xa0: {  	s5 =	ssub.s32 $0x0, s20;
	[sflag:s22] =	ssyncset.done $0x0  }
0xa1: {  	[sflag:s22] =	ssyncadd.s32 s5;
	_ =	sdelay $0x1  }
0xa2: {  	s23 =	simm.s32 $0x1B8B  }
0xa3: {  	_ =	swait.ge [sflag:s23], $0x1  }
0xa4: {  	[sflag:s23] =	ssyncset.done $0x0  }
0xa5: {  	s25 =	simm.s32 $0x1B8E;
	s24 =	sld [smem:$0x3FFE];
	[sflag:s23] =	ssyncadd.s32 $0xFFFFFFFF  }
0xa6: {  	s26 =	simm.s32 $execute0_lowered;
	[smem:$0x3FD2] =	sst s25  }
0xa7: {  	s6 =	sshll.u32 s26, $0x1;
	_ =	strace $0x80000049;
	[dreg:$0x1] =	wrdreg $0xFFFFFFFF  }
0xa8: {  	s28 =	simm.s32 $_size_execute0_lowered;
	s4 =	sadd.s32 s4, s6;
	[dreg:$0x0] =	wrdreg $0x0  }
0xa9: {  	s6 =	sshll.u32 s28, $0x1;
	[dreg:$0x2] =	wrdreg s4  }
0xaa: {  	[dreg:$0x3] =	wrdreg s6  }
0xab: {  	[dreg:$0x4] =	wrdreg $0xC0  }
0xac: {  	_ =	task [dreg:s8], $0x5FFFF  }
0xad: {  	[dreg:$0x1] =	wrdreg $0xFFFFFFFF  }
0xae: {  	[dreg:$0x0] =	wrdreg $0x60  }
0xaf: {  	[dreg:$0x2] =	wrdreg s2  }
0xb0: {  	[dreg:$0x3] =	wrdreg s24  }
0xb1: {  	[dreg:$0x4] =	wrdreg s18  }
0xb2: {  	[dreg:$0x5] =	wrdreg $0x9  }
0xb3: {  	_ =	task.clear_ibuf [dreg:s8], $0x6FFFF;
	_ =	strace $0x90000049  }
0xb4: {  	s29 =	simm.s32 $0x9;
	_ =	strace $0x8000004B  }
0xb5: {  	_ =	swait.ge [sflag:s29], $0x1  }
0xb6: {  	[sflag:s29] =	ssyncadd.s32 $0xFFFFFFFF  }
0xb7: {  	_ =	strace $0x9000004B  }
0xb8: {  	_ =	sfence  }
0xb9: {  	s30 =	sld [smem:$0x0];
	_ =	sdelay $0x2  }
0xba: {  	s31 =	sshll.u32 s1, $0xD;
	s1 =	sshrl.u32 s1, $0x2  }
0xbb: {  	s3 =	sand.u32 $0x4000, s31;
	s1 =	sadd.s32 s1, s30  }
0xbc: {  	s0 =	sor.u32 s3, s0;
	s1 =	sshll.u32 s1, $0x11  }
0xbd: {  	s0 =	sor.u32 s1, s0  }
0xbe: {  	s0 =	sadd.s32 $0x8F2B, s0  }
0xbf: {  	[sflag:s0] =	ssyncadd.remote.s32 $0x1  }
0xc0: {  	_ =	sfence.sel $0xFFFF  }
0xc1: {  	[dreg:$0x0] =	wrdreg $0xFFFFFFFF;
	(pc) =	sbr.abs _section_cstart, $3  }
0xc2: {  	[dreg:$0x1] =	wrdreg $0xFFFFFFFF  }
0xc3: {  	_ =	task.clear_ibuf [dreg:s8], $0x2FFFF;
	_ =	strace $0x9FFFFFFF  }
0xc4: {  	(tm) =	ssettm $0x7FFFFFFF  }
0xc5: {  	_ =	shalt  }
tec
execute0_lowered:
.L_overlay_start_1:
0x0: {  	(tag) =	ssettag $0x1  }
0x1: {  	s9 =	rddreg [dreg:$0x0]  }
0x2: {  	s8 =	rddreg [dreg:$0x1]  }
0x3: {  	s10 =	rddreg [dreg:$0x2]  }
0x4: {  	s2 =	simm.s32 $0x0;
	s3 =	srdreg.scid;
	s0 =	stileid.u32  }
0x5: {  	s14 =	simm.s32 $0x280;
	s15 =	simm.s32 $0xA80;
	s16 =	simm.s32 $0x1280  }
0x6: {  	s17 =	simm.s32 $0x1A80;
	s18 =	simm.s32 $0x2280;
	s19 =	simm.s32 $0x2A80  }
0x7: {  	s20 =	simm.s32 $0x3280;
	s21 =	simm.s32 $0x3A80;
	s22 =	simm.s32 $0x1  }
0x8: {  	s23 =	simm.s32 $0x100;
	s24 =	simm.s32 $0x400;
	s25 =	simm.s32 $0x4280  }
0x9: {  	s26 =	simm.s32 $0x4A80;
	s28 =	simm.s32 $0x0;
	[smem:$0x7FF] =	sst s2  }
0xa: {  	s4 =	sand.u32 $0x1, s3;
	s5 =	sshll.u32 s0, $0x1;
	s3 =	sadd.s32 $0x3800, s8  }
0xb: {  	s29 =	sshll.u32 s0, $0x7;
	s13 =	sshll.u32 s0, $0x9;
	_ =	strace $0x8000004A  }
0xc: {  	s5 =	sor.u32 s4, s5;
	s6 =	ssub.s32 $0x2, s4;
	s4 =	sshll.u32 s4, $0x6  }
0xd: {  	s7 =	sshll.u32 s5, $0x4;
	s11 =	sshrl.u32 s6, $0x1;
	s12 =	sadd.s32 s4, s8  }
0xe: {  	s5 =	sshll.u32 s5, $0x5;
	s7 =	sadd.s32 s7, s8;
	s11 =	ssub.s32 s6, s11  }
0xf: {  	s6 =	sadd.s32 s29, s12;
	s30 =	sor.u32 s13, s5;
	s12 =	simm.s32 $0x2  }
0x10: {  	v2 =	vlaneseq.u32;
	s4 =	sadd.s32 $0x13A00, s7;
	s5 =	sadd.s32 $0x3000, s6;
	s6 =	sadd.s32 $0x3900, s8  }
0x11: {  	vm0 =	vmmov $0xffff;
	v1 =	vshrl.u32 v2, $0x3;
	s31 =	sand.u32 $0x1C60, s30;
	s7 =	sadd.s32 $0x3A00, s8;
	s8 =	sadd.s32 $0x3B00, s8  }
0x12: {  	v0 =	vand.u32 $0x7, v2;
	v2 =	vor.u32 $0x8, v2;
	v1 =	vmul.u32 $0x8, v1;
	s11 =	smax.u32 s11, $0x1;
	s9 =	sadd.s32 s9, s31;
	s10 =	sadd.s32 s10, s31  }
.LBB2_1:
0x13: {  	[tilespmem:s2], [sflag:$0x2] =	stream.linear.gather [hbm4b:s4+s2], $0x80, $0x38;
	[tilespmem:$0x5280] =	vst v63  }
0x14: {  	_ =	swait.ge [sflag:s12], $0x80  }
0x15: {  	[sflag:s12] =	ssyncset.done $0x0  }
0x16: {  	s0 =	simm.s32 $0x80;
	[sflag:s12] =	ssyncadd.s32 $0xFFFFFF80  }
0x17: {  	[tilespmem:s0], [sflag:$0x2] =	stream.linear.gather [hbm4b:s5+s2], $0x200, $0x38;
	[tilespmem:$0x5280] =	vst v63  }
0x18: {  	_ =	swait.ge [sflag:s12], $0x200  }
0x19: {  	[sflag:s12] =	ssyncset.done $0x0  }
0x1a: {  	[sflag:s12] =	ssyncadd.s32 $0xFFFFFE00  }
0x1b: {  	v3 =	vld [tilespmem:$0x0];
	_ =	sdelay $0x4  }
0x1c: {  	v4 =	vshll.u32 v3, $0x3  }
0x1d: {  	v3 =	vand.u32 $0x7, v3;
	v4 =	vand.u32 $0xFFFFFFC0, v4  }
0x1e: {  	v3 =	vor.u32 v3, v4  }
0x1f: {  	v4 =	vperm.xlane v3, v0;
	_ =	sdelay $0x1  }
0x20: {  	v4 =	vadd.s32 v1, v4;
	_ =	sdelay $0x4  }
0x21: {  	[tilespmem:s14], [sflag:$0x1] =	stream.indirect_vreg.gather [hbm4b:s3+s2], $0x80, v4, vm0, $0xb8;
	[tilespmem:$0x5280] =	vst v63  }
0x22: {  	v3 =	vperm.xlane v3, v2  }
0x23: {  	[tilespmem:s15], [sflag:$0x1] =	stream.indirect_vreg.gather [hbm4b:s6+s2], $0x80, v4, vm0, $0xb8;
	[tilespmem:$0x5280] =	vst v63  }
0x24: {  	v3 =	vadd.s32 v1, v3  }
0x25: {  	[tilespmem:s16], [sflag:$0x1] =	stream.indirect_vreg.gather [hbm4b:s7+s2], $0x80, v4, vm0, $0xb8;
	[tilespmem:$0x5280] =	vst v63  }
0x26: {  	_ = 	snop  }
0x27: {  	[tilespmem:s17], [sflag:$0x1] =	stream.indirect_vreg.gather [hbm4b:s8+s2], $0x80, v4, vm0, $0xb8;
	[tilespmem:$0x5280] =	vst v63  }
0x28: {  	_ = 	snop  }
0x29: {  	[tilespmem:s18], [sflag:$0x1] =	stream.indirect_vreg.gather [hbm4b:s3+s2], $0x80, v3, vm0, $0xb8;
	[tilespmem:$0x5280] =	vst v63  }
0x2a: {  	_ = 	snop  }
0x2b: {  	[tilespmem:s19], [sflag:$0x1] =	stream.indirect_vreg.gather [hbm4b:s6+s2], $0x80, v3, vm0, $0xb8;
	[tilespmem:$0x5280] =	vst v63  }
0x2c: {  	_ = 	snop  }
0x2d: {  	[tilespmem:s20], [sflag:$0x1] =	stream.indirect_vreg.gather [hbm4b:s7+s2], $0x80, v3, vm0, $0xb8;
	[tilespmem:$0x5280] =	vst v63  }
0x2e: {  	_ = 	snop  }
0x2f: {  	[tilespmem:s21], [sflag:$0x1] =	stream.indirect_vreg.gather [hbm4b:s8+s2], $0x80, v3, vm0, $0xb8;
	[tilespmem:$0x5280] =	vst v63  }
0x30: {  	_ =	swait.ge [sflag:s22], $0x4000  }
0x31: {  	[sflag:s22] =	ssyncset.done $0x0  }
0x32: {  	[sflag:s22] =	ssyncadd.s32 $0xFFFFC000  }
0x33: {  	[tilespmem:s25], [sflag:$0x2] =	stream.strided.gather [hbm4b:s9+s23], $0x800, s24, s23, $0x38;
	[tilespmem:$0x5280] =	vst v63  }
0x34: {  	_ =	swait.ge [sflag:s12], $0x800  }
0x35: {  	s29 =	simm.s32 $0x0;
	[sflag:s12] =	ssyncset.done $0x0  }
0x36: {  	s30 =	sand.u32 $0x70, s2;
	s29 =	sand.u32 $0x3FFFFC00, s29;
	[sflag:s12] =	ssyncadd.s32 $0xFFFFF800  }
0x37: {  	s31 =	sor.u32 s30, s29;
	v3 =	vld [tilespmem:$0x80]  }
0x38: {  	s29 =	simm.s32 $0x0;
	v4 =	vld [tilespmem:s31+$0x300]  }
0x39: {  	s29 =	sand.u32 $0xFFFFFF00, s29;
	v5 =	vld [tilespmem:s31+$0x280]  }
0x3a: {  	s29 =	sor.u32 s30, s29;
	v6 =	vld [tilespmem:$0x100]  }
0x3b: {  	v7 =	vld [tilespmem:s29+$0x4280];
	_ =	sdelay $0x2  }
0x3c: {  	v3 =	vmul.f32 v5, v3;
	_ =	sdelay $0x1  }
0x3d: {  	v4 =	vmul.f32 v4, v6;
	v3 =	vadd.f32 v3, v7;
	_ =	sdelay $0x1  }
0x3e: {  	v3 =	vadd.f32 v4, v3;
	_ =	sdelay $0x1  }
0x3f: {  	[tilespmem:s29+$0x4A80] =	vst v3;
	v3 =	vld [tilespmem:s29+$0x4300]  }
0x40: {  	v4 =	vld [tilespmem:$0x180]  }
0x41: {  	v5 =	vld [tilespmem:s31+$0x380]  }
0x42: {  	v6 =	vld [tilespmem:s31+$0x400]  }
0x43: {  	v7 =	vld [tilespmem:$0x200];
	_ =	sdelay $0x2  }
0x44: {  	v4 =	vmul.f32 v5, v4;
	_ =	sdelay $0x1  }
0x45: {  	s30 =	simm.s32 $0x1;
	s31 =	simm.s32 $0x0;
	v3 =	vadd.f32 v4, v3;
	v4 =	vmul.f32 v6, v7  }
.LBB2_2:
0x46: {  	p0 =	sne.s32 s30, $0x3F  }
0x47: {  	s31 =	sadd.s32 $0x10, s31;
	s0 =	smov.u32 s30;
	s30 =	sadd.s32 $0x1, s30;
	v3 =	vadd.f32 v4, v3  }
0x48: {  	s1 =	sshll.u32 s0, $0x7  }
0x49: {  	s13 =	sand.u32 $0x70, s31;
	s0 =	sshll.u32 s0, $0x5;
	s1 =	sand.u32 $0x3FFFFC00, s1;
	[tilespmem:s29+$0x4B00] =	vst v3  }
0x4a: {  	s0 =	sand.u32 $0xFFFFFF00, s0;
	s1 =	sor.u32 s13, s1;
	v3 =	vld [tilespmem:$0x80]  }
0x4b: {  	s29 =	sor.u32 s13, s0;
	v4 =	vld [tilespmem:s1+$0x300]  }
0x4c: {  	v5 =	vld [tilespmem:s1+$0x280]  }
0x4d: {  	v6 =	vld [tilespmem:$0x100]  }
0x4e: {  	v7 =	vld [tilespmem:s29+$0x4280];
	_ =	sdelay $0x2  }
0x4f: {  	v3 =	vmul.f32 v5, v3  }
0x50: {  	v4 =	vmul.f32 v4, v6  }
0x51: {  	v3 =	vadd.f32 v3, v7;
	_ =	sdelay $0x1  }
0x52: {  	v3 =	vadd.f32 v4, v3;
	_ =	sdelay $0x1  }
0x53: {  	[tilespmem:s29+$0x4A80] =	vst v3;
	v3 =	vld [tilespmem:s29+$0x4300]  }
0x54: {  	v4 =	vld [tilespmem:$0x180]  }
0x55: {  	v5 =	vld [tilespmem:s1+$0x380]  }
0x56: {  	v6 =	vld [tilespmem:s1+$0x400]  }
0x57: {  	v7 =	vld [tilespmem:$0x200]  }
.Ltmp0:
0x58: {  	(pc) =	sbr.rel @p0 .LBB2_2-.Ltmp0, $3  }
0x59: {  	_ = 	snop  }
0x5a: {  	v4 =	vmul.f32 v5, v4;
	_ =	sdelay $0x1  }
0x5b: {  	v3 =	vadd.f32 v4, v3;
	v4 =	vmul.f32 v6, v7  }
0x5c: {  	_ = 	snop  }
0x5d: {  	s28 =	sadd.s32 $0x1, s28;
	v3 =	vadd.f32 v4, v3  }
0x5e: {  	p0 =	sne.s32 s28, s11  }
.Ltmp1:
0x5f: {  	[tilespmem:s29+$0x4B00] =	vst v3;
	(pc) =	sbr.rel @p0 .LBB2_1-.Ltmp1, $4  }
0x60: {  	[hbm4b:s10+s23] =	stream.strided.scatter [tilespmem:s26], [sflag:$0x2], $0x800, s24, s23, $0x38;
	[tilespmem:$0x5280] =	vst v63  }
0x61: {  	_ =	swait.ge [sflag:s12], $0x800  }
0x62: {  	[sflag:s12] =	ssyncset.done $0x0  }
0x63: {  	[sflag:s12] =	ssyncadd.s32 $0xFFFFF800  }
0x64: {  	_ =	sfence.sel $0x180000  }
0x65: {  	[bflag:$0x0] =	sbarrier.arrive $0xFFFF  }
0x66: {  	_ =	strace $0x9000004A  }
0x67: {  	s0 =	stileid.u32;
	[bflag:$0x2] =	sbarrier.arrive $0xFFFF  }
0x68: {  	p0 =	sne.s32 s0, $0x0;
	s0 =	rddreg [dreg:$0x3]  }
0x69: {  	s0 =	sadd.s32 @!p0 $0x100000, s0  }
0x6a: {  	[sflag:s0] =	ssyncadd.tile.s32 @!p0 $0x1;
	_ =	shalt  }
.Lfunc_end2:
_tile_overlayer_lowered:
.L_overlay_start_2:
0x6b: {  	(tag) =	ssettag $0x2  }
0x6c: {  	s0 =	rddreg [dreg:$0x0];
	s2 =	stileid.u32  }
0x6d: {  	s1 =	rddreg [dreg:$0x1];
	p0 =	sne.s32 s2, $0x0  }
0x6e: {  	s3 =	rddreg [dreg:$0x2];
	[bflag:$0x3] =	sbarrier.arrive $0xFFFF;
	s2 =	simm.s32 @!p0 $0x1C02  }
0x6f: {  	[timem:s3], [sflag:s2] =	dma.local @!p0 [hbm:s0], s1  }
0x70: {  	s0 =	simm.s32 @!p0 $0x2  }
0x71: {  	_ =	swait.ge @!p0 [sflag:s0], s1  }
0x72: {  	s1 =	ssub.s32 @!p0 $0x0, s1;
	[sflag:s0] =	ssyncset.done @!p0 $0x0  }
0x73: {  	[sflag:s0] =	ssyncadd.s32 @!p0 s1  }
0x74: {  	[bflag:$0x3] =	sbarrier.arrive $0xFFFF  }
0x75: {  	_ =	shalt  }

</sc_bundles>
